<compile_context>
chip_gen: v7x
topology: tpu7x:2x2x1
jax: 0.10.2.dev20260603
libtpu: 0.0.44.dev20260713+nightly
codegen_flags: <defaults>
</compile_context>

<pallas_src>
import functools

import jax
import jax.numpy as jnp
from jax import lax
from jax.experimental import pallas as pl
from jax.experimental.pallas import tpu as pltpu
from jax.experimental.pallas import tpu_sc as plsc

_C0 = 104
_K = 4


@functools.lru_cache(maxsize=None)
def _make_gather(V, D, S, H, HP):
    info = plsc.get_sparse_core_info()
    NC, NS = info.num_cores, info.num_subcores
    NW = NC * NS
    assert S % (2 * NW) == 0
    seqs_per_w = S // NW
    C1 = H - _C0
    sizes = (_C0, C1, _C0, C1)
    offs = (0, _C0, 0, _C0)

    mesh = plsc.VectorSubcoreMesh(core_axis_name="c", subcore_axis_name="s")

    @functools.partial(
        pl.kernel,
        mesh=mesh,
        out_type=jax.ShapeDtypeStruct((S * H, D), jnp.float32),
        scratch_types=[
            pltpu.VMEM((seqs_per_w, _C0), jnp.int32),
            pltpu.VMEM((seqs_per_w, C1), jnp.int32),
            pltpu.VMEM((2, _K, _C0, D), jnp.float32),
            pltpu.SemaphoreType.DMA,
            pltpu.SemaphoreType.DMA,
            pltpu.SemaphoreType.DMA,
            pltpu.SemaphoreType.DMA,
            pltpu.SemaphoreType.DMA,
        ],
        compiler_params=pltpu.CompilerParams(use_tc_tiling_on_sc=False),
    )
    def gather(table_hbm, x_hbm, out_hbm, idx_a, idx_b, rows_v, g0, g1, w0, w1, ssem):
        wid = lax.axis_index("s") * NC + lax.axis_index("c")
        s_base = wid * seqs_per_w

        def stage_fire(sl, carry):
            s = s_base + sl
            pltpu.async_copy(x_hbm.at[s, pl.ds(0, _C0)], idx_a.at[sl], ssem)
            pltpu.async_copy(x_hbm.at[s, pl.ds(_C0, C1)], idx_b.at[sl], ssem)
            return carry

        def stage_drain(sl, carry):
            pltpu.make_async_copy(
                x_hbm.at[0, pl.ds(0, _C0)], idx_a.at[sl], ssem
            ).wait()
            pltpu.make_async_copy(
                x_hbm.at[0, pl.ds(_C0, C1)], idx_b.at[sl], ssem
            ).wait()
            return carry

        lax.fori_loop(0, seqs_per_w, stage_fire, 0)
        lax.fori_loop(0, seqs_per_w, stage_drain, 0)

        def idx_ref(g, b):
            arr = idx_a if b % 2 == 0 else idx_b
            return arr.at[2 * g + b // 2]

        def fire_g(g, h, sem):
            for b in range(_K):
                pltpu.async_copy(
                    table_hbm.at[idx_ref(g, b)],
                    rows_v.at[h, b, pl.ds(0, sizes[b])],
                    sem,
                )

        def drain_g(h, sem):
            for b in range(_K):
                pltpu.make_async_copy(
                    table_hbm.at[pl.ds(0, sizes[b])],
                    rows_v.at[h, b, pl.ds(0, sizes[b])],
                    sem,
                ).wait()

        def fire_w(g, h, sem):
            for b in range(_K):
                q0 = (s_base + 2 * g + b // 2) * H + offs[b]
                pltpu.async_copy(
                    rows_v.at[h, b, pl.ds(0, sizes[b])],
                    out_hbm.at[pl.ds(q0, sizes[b])],
                    sem,
                )

        def drain_w(h, sem):
            for b in range(_K):
                pltpu.make_async_copy(
                    rows_v.at[h, b, pl.ds(0, sizes[b])],
                    out_hbm.at[pl.ds(0, sizes[b])],
                    sem,
                ).wait()

        fire_g(0, 0, g0)

        n_groups = seqs_per_w // 2

        def body(t, carry):
            @pl.when(t > 0)
            def _():
                drain_w(1, w1)

            fire_g(2 * t + 1, 1, g1)
            drain_g(0, g0)
            fire_w(2 * t, 0, w0)
            drain_w(0, w0)

            @pl.when(t < n_groups // 2 - 1)
            def _():
                fire_g(2 * t + 2, 0, g0)

            drain_g(1, g1)
            fire_w(2 * t + 1, 1, w1)
            return carry

        lax.fori_loop(0, n_groups // 2, body, 0)
        drain_w(1, w1)

    return gather


def kernel(x, W):
    S, H = x.shape
    V, D = W.shape
    HP = (H + 127) // 128 * 128
    xp = jnp.pad(x, ((0, 0), (0, HP - H)))
    out = _make_gather(V, D, S, H, HP)(W, xp)
    return out.reshape(S, H, D)

# --- scband reference (transcript-rebuilt; emitter-appended) ---
"""Pipeline reference for scband-token-embedding-50938312130807 (READ-ONLY COPY).

The authoritative reference and input builder live on the scoring server;
editing this copy changes nothing except your own understanding.
"""

import jax, jax.numpy as jnp
import numpy as np

VOCAB = 1000000
DIM = 64
BATCH = 4096
HIST = 200

def setup_inputs(seed: int = 0) -> dict:
    key = jax.random.key(seed)
    k1, k2 = jax.random.split(key)
    x = jax.random.randint(k1, (BATCH, HIST), 0, VOCAB, dtype=jnp.int32)
    W = jax.random.normal(k2, (VOCAB, DIM), dtype=jnp.float32) * 0.02
    return {"x": x, "W": W}

def reference(x, W):
    # TokenEmbedding.forward: embedding lookup followed by dropout(p=0.0) (identity at eval)
    out = jnp.take(W, x, axis=0)
    return out

if __name__ == "__main__":
    import jax
    _d = setup_inputs()
    print(jax.jit(kernel)(*tuple(_d.values())))

</pallas_src>

<mosaic_0001>
#map = affine_map<(d0, d1) -> (0, 0)>
module attributes {stable_mosaic.version = 14 : i64} {
  func.func @gather(%arg0: i32, %arg1: i32, %arg2: memref<1000000x64xf32, #tpu.memory_space<hbm>>, %arg3: memref<4096x256xi32, #tpu.memory_space<hbm>>, %arg4: memref<819200x64xf32, #tpu.memory_space<hbm>>, %arg5: memref<128x104xi32, #tpu.memory_space<vmem>>, %arg6: memref<128x96xi32, #tpu.memory_space<vmem>>, %arg7: memref<2x4x104x64xf32, #tpu.memory_space<vmem>>, %arg8: memref<!tpu.dma_semaphore, #tpu.memory_space<semaphore_mem>>, %arg9: memref<!tpu.dma_semaphore, #tpu.memory_space<semaphore_mem>>, %arg10: memref<!tpu.dma_semaphore, #tpu.memory_space<semaphore_mem>>, %arg11: memref<!tpu.dma_semaphore, #tpu.memory_space<semaphore_mem>>, %arg12: memref<!tpu.dma_semaphore, #tpu.memory_space<semaphore_mem>>) attributes {dimension_semantics = [#tpu.dimension_semantics<core_parallel>, #tpu.dimension_semantics<subcore_parallel>], iteration_bounds = array<i64: 2, 16>, scalar_prefetch = 0 : i64, scratch_operands = 8 : i64, tpu.core_type = #tpu.core_type<sc_vector_subcore>, window_params = [{transform_indices = #map}, {transform_indices = #map}, {transform_indices = #map}]} {
    %mul3A = arith.constant 2 : i32
    %mul3A_0 = arith.muli %arg1, %mul3A : i32
    %add3A = arith.addi %mul3A_0, %arg0 : i32
    %mul3A_1 = arith.constant 128 : i32
    %mul3A_2 = arith.muli %add3A, %mul3A_1 : i32
    %scan3A = arith.constant 0 : i32
    %scan3A_3 = arith.constant 0 : i32
    %scan3A_4 = arith.constant 128 : i32
    %scan3A_5 = arith.addi %scan3A_3, %scan3A_4 : i32
    %scan3A_6 = arith.constant 1 : i32
    scf.for %scan3A_134 = %scan3A_3 to %scan3A_5 step %scan3A_6  : i32 {
      %add3A_135 = arith.addi %mul3A_2, %scan3A_134 : i32
      %dma_start3A_136 = arith.constant 0 : i32
      %dma_start3A_137 = tpu.memref_slice %arg5[%scan3A_134, %dma_start3A_136] : memref<128x104xi32, #tpu.memory_space<vmem>> -> memref<1x104xi32, #tpu.memory_space<vmem>>
      %dma_start3A_138 = tpu.memref_squeeze %dma_start3A_137 : memref<1x104xi32, #tpu.memory_space<vmem>> -> memref<104xi32, #tpu.memory_space<vmem>>
      %dma_start3A_139 = arith.constant 0 : i32
      %dma_start3A_140 = tpu.memref_slice %arg3[%add3A_135, %dma_start3A_139] : memref<4096x256xi32, #tpu.memory_space<hbm>> -> memref<1x104xi32, #tpu.memory_space<hbm>>
      %dma_start3A_141 = tpu.memref_squeeze %dma_start3A_140 : memref<1x104xi32, #tpu.memory_space<hbm>> -> memref<104xi32, #tpu.memory_space<hbm>>
      %dma_start3A_142 = arith.constant 0 : i32
      %dma_start3A_143 = tpu.memref_slice %arg5[%scan3A_134, %dma_start3A_142] : memref<128x104xi32, #tpu.memory_space<vmem>> -> memref<1x104xi32, #tpu.memory_space<vmem>>
      %dma_start3A_144 = tpu.memref_squeeze %dma_start3A_143 : memref<1x104xi32, #tpu.memory_space<vmem>> -> memref<104xi32, #tpu.memory_space<vmem>>
      %dma_start3A_145 = arith.constant 0 : i32
      %dma_start3A_146 = tpu.memref_slice %arg3[%add3A_135, %dma_start3A_145] : memref<4096x256xi32, #tpu.memory_space<hbm>> -> memref<1x104xi32, #tpu.memory_space<hbm>>
      %dma_start3A_147 = tpu.memref_squeeze %dma_start3A_146 : memref<1x104xi32, #tpu.memory_space<hbm>> -> memref<104xi32, #tpu.memory_space<hbm>>
      tpu.enqueue_dma source(%dma_start3A_147 : memref<104xi32, #tpu.memory_space<hbm>>) target(%dma_start3A_144 : memref<104xi32, #tpu.memory_space<vmem>>) target_semaphore(%arg12 : memref<!tpu.dma_semaphore, #tpu.memory_space<semaphore_mem>>)
      %dma_start3A_148 = arith.constant 0 : i32
      %dma_start3A_149 = tpu.memref_slice %arg6[%scan3A_134, %dma_start3A_148] : memref<128x96xi32, #tpu.memory_space<vmem>> -> memref<1x96xi32, #tpu.memory_space<vmem>>
      %dma_start3A_150 = tpu.memref_squeeze %dma_start3A_149 : memref<1x96xi32, #tpu.memory_space<vmem>> -> memref<96xi32, #tpu.memory_space<vmem>>
      %dma_start3A_151 = arith.constant 104 : i32
      %dma_start3A_152 = tpu.memref_slice %arg3[%add3A_135, %dma_start3A_151] : memref<4096x256xi32, #tpu.memory_space<hbm>> -> memref<1x96xi32, #tpu.memory_space<hbm>>
      %dma_start3A_153 = tpu.memref_squeeze %dma_start3A_152 : memref<1x96xi32, #tpu.memory_space<hbm>> -> memref<96xi32, #tpu.memory_space<hbm>>
      %dma_start3A_154 = arith.constant 0 : i32
      %dma_start3A_155 = tpu.memref_slice %arg6[%scan3A_134, %dma_start3A_154] : memref<128x96xi32, #tpu.memory_space<vmem>> -> memref<1x96xi32, #tpu.memory_space<vmem>>
      %dma_start3A_156 = tpu.memref_squeeze %dma_start3A_155 : memref<1x96xi32, #tpu.memory_space<vmem>> -> memref<96xi32, #tpu.memory_space<vmem>>
      %dma_start3A_157 = arith.constant 104 : i32
      %dma_start3A_158 = tpu.memref_slice %arg3[%add3A_135, %dma_start3A_157] : memref<4096x256xi32, #tpu.memory_space<hbm>> -> memref<1x96xi32, #tpu.memory_space<hbm>>
      %dma_start3A_159 = tpu.memref_squeeze %dma_start3A_158 : memref<1x96xi32, #tpu.memory_space<hbm>> -> memref<96xi32, #tpu.memory_space<hbm>>
      tpu.enqueue_dma source(%dma_start3A_159 : memref<96xi32, #tpu.memory_space<hbm>>) target(%dma_start3A_156 : memref<96xi32, #tpu.memory_space<vmem>>) target_semaphore(%arg12 : memref<!tpu.dma_semaphore, #tpu.memory_space<semaphore_mem>>)
    }
    %scan3A_7 = arith.constant 128 : i32
    %scan3A_8 = arith.constant 0 : i32
    %scan3A_9 = arith.constant 0 : i32
    %scan3A_10 = arith.constant 128 : i32
    %scan3A_11 = arith.addi %scan3A_9, %scan3A_10 : i32
    %scan3A_12 = arith.constant 1 : i32
    scf.for %scan3A_134 = %scan3A_9 to %scan3A_11 step %scan3A_12  : i32 {
      %dma_wait3A_135 = arith.constant 0 : i32
      %dma_wait3A_136 = arith.constant 0 : i32
      %dma_wait3A_137 = tpu.memref_slice %arg5[%scan3A_134, %dma_wait3A_136] : memref<128x104xi32, #tpu.memory_space<vmem>> -> memref<1x104xi32, #tpu.memory_space<vmem>>
      %dma_wait3A_138 = tpu.memref_squeeze %dma_wait3A_137 : memref<1x104xi32, #tpu.memory_space<vmem>> -> memref<104xi32, #tpu.memory_space<vmem>>
      %dma_wait3A_139 = arith.constant 0 : i32
      %dma_wait3A_140 = tpu.memref_slice %arg3[%dma_wait3A_135, %dma_wait3A_139] : memref<4096x256xi32, #tpu.memory_space<hbm>> -> memref<1x104xi32, #tpu.memory_space<hbm>>
      %dma_wait3A_141 = tpu.memref_squeeze %dma_wait3A_140 : memref<1x104xi32, #tpu.memory_space<hbm>> -> memref<104xi32, #tpu.memory_space<hbm>>
      %dma_wait3A_142 = arith.constant 0 : i32
      %dma_wait3A_143 = tpu.memref_slice %arg5[%scan3A_134, %dma_wait3A_142] : memref<128x104xi32, #tpu.memory_space<vmem>> -> memref<1x104xi32, #tpu.memory_space<vmem>>
      %dma_wait3A_144 = tpu.memref_squeeze %dma_wait3A_143 : memref<1x104xi32, #tpu.memory_space<vmem>> -> memref<104xi32, #tpu.memory_space<vmem>>
      %dma_wait3A_145 = arith.constant 0 : i32
      %dma_wait3A_146 = tpu.memref_slice %arg3[%dma_wait3A_135, %dma_wait3A_145] : memref<4096x256xi32, #tpu.memory_space<hbm>> -> memref<1x104xi32, #tpu.memory_space<hbm>>
      %dma_wait3A_147 = tpu.memref_squeeze %dma_wait3A_146 : memref<1x104xi32, #tpu.memory_space<hbm>> -> memref<104xi32, #tpu.memory_space<hbm>>
      tpu.wait_dma2 semaphore(%arg12 : memref<!tpu.dma_semaphore, #tpu.memory_space<semaphore_mem>>) src(%dma_wait3A_147 : memref<104xi32, #tpu.memory_space<hbm>>) dst(%dma_wait3A_144 : memref<104xi32, #tpu.memory_space<vmem>>)
      %dma_wait3A_148 = arith.constant 0 : i32
      %dma_wait3A_149 = arith.constant 0 : i32
      %dma_wait3A_150 = tpu.memref_slice %arg6[%scan3A_134, %dma_wait3A_149] : memref<128x96xi32, #tpu.memory_space<vmem>> -> memref<1x96xi32, #tpu.memory_space<vmem>>
      %dma_wait3A_151 = tpu.memref_squeeze %dma_wait3A_150 : memref<1x96xi32, #tpu.memory_space<vmem>> -> memref<96xi32, #tpu.memory_space<vmem>>
      %dma_wait3A_152 = arith.constant 104 : i32
      %dma_wait3A_153 = tpu.memref_slice %arg3[%dma_wait3A_148, %dma_wait3A_152] : memref<4096x256xi32, #tpu.memory_space<hbm>> -> memref<1x96xi32, #tpu.memory_space<hbm>>
      %dma_wait3A_154 = tpu.memref_squeeze %dma_wait3A_153 : memref<1x96xi32, #tpu.memory_space<hbm>> -> memref<96xi32, #tpu.memory_space<hbm>>
      %dma_wait3A_155 = arith.constant 0 : i32
      %dma_wait3A_156 = tpu.memref_slice %arg6[%scan3A_134, %dma_wait3A_155] : memref<128x96xi32, #tpu.memory_space<vmem>> -> memref<1x96xi32, #tpu.memory_space<vmem>>
      %dma_wait3A_157 = tpu.memref_squeeze %dma_wait3A_156 : memref<1x96xi32, #tpu.memory_space<vmem>> -> memref<96xi32, #tpu.memory_space<vmem>>
      %dma_wait3A_158 = arith.constant 104 : i32
      %dma_wait3A_159 = tpu.memref_slice %arg3[%dma_wait3A_148, %dma_wait3A_158] : memref<4096x256xi32, #tpu.memory_space<hbm>> -> memref<1x96xi32, #tpu.memory_space<hbm>>
      %dma_wait3A_160 = tpu.memref_squeeze %dma_wait3A_159 : memref<1x96xi32, #tpu.memory_space<hbm>> -> memref<96xi32, #tpu.memory_space<hbm>>
      tpu.wait_dma2 semaphore(%arg12 : memref<!tpu.dma_semaphore, #tpu.memory_space<semaphore_mem>>) src(%dma_wait3A_160 : memref<96xi32, #tpu.memory_space<hbm>>) dst(%dma_wait3A_157 : memref<96xi32, #tpu.memory_space<vmem>>)
    }
    %scan3A_13 = arith.constant 128 : i32
    %dma_start3A = arith.constant 0 : i32
    %dma_start3A_14 = arith.constant 0 : i32
    %dma_start3A_15 = arith.constant 0 : i32
    %dma_start3A_16 = arith.constant 0 : i32
    %dma_start3A_17 = arith.constant 0 : i32
    %dma_start3A_18 = tpu.memref_slice %arg7[%dma_start3A_14, %dma_start3A_15, %dma_start3A_16, %dma_start3A_17] : memref<2x4x104x64xf32, #tpu.memory_space<vmem>> -> memref<1x1x104x64xf32, #tpu.memory_space<vmem>>
    %dma_start3A_19 = tpu.memref_squeeze %dma_start3A_18 : memref<1x1x104x64xf32, #tpu.memory_space<vmem>> -> memref<104x64xf32, #tpu.memory_space<vmem>>
    %dma_start3A_20 = arith.constant 0 : i32
    %dma_start3A_21 = tpu.memref_slice %arg5[%dma_start3A, %dma_start3A_20] : memref<128x104xi32, #tpu.memory_space<vmem>> -> memref<1x104xi32, #tpu.memory_space<vmem>>
    %dma_start3A_22 = tpu.memref_squeeze %dma_start3A_21 : memref<1x104xi32, #tpu.memory_space<vmem>> -> memref<104xi32, #tpu.memory_space<vmem>>
    %dma_start3A_23 = arith.constant 0 : i32
    %dma_start3A_24 = arith.constant 0 : i32
    %dma_start3A_25 = tpu.memref_slice %arg2[%dma_start3A_23, %dma_start3A_24] : memref<1000000x64xf32, #tpu.memory_space<hbm>> -> memref<1000000x64xf32, #tpu.memory_space<hbm>>
    tpu.enqueue_indirect_dma source(%dma_start3A_25 : memref<1000000x64xf32, #tpu.memory_space<hbm>>) target(%dma_start3A_19 : memref<104x64xf32, #tpu.memory_space<vmem>>) offsets(%dma_start3A_22 : memref<104xi32, #tpu.memory_space<vmem>>) semaphore(%arg8 : memref<!tpu.dma_semaphore, #tpu.memory_space<semaphore_mem>>)
    %dma_start3A_26 = arith.constant 0 : i32
    %dma_start3A_27 = arith.constant 0 : i32
    %dma_start3A_28 = arith.constant 1 : i32
    %dma_start3A_29 = arith.constant 0 : i32
    %dma_start3A_30 = arith.constant 0 : i32
    %dma_start3A_31 = tpu.memref_slice %arg7[%dma_start3A_27, %dma_start3A_28, %dma_start3A_29, %dma_start3A_30] : memref<2x4x104x64xf32, #tpu.memory_space<vmem>> -> memref<1x1x96x64xf32, #tpu.memory_space<vmem>>
    %dma_start3A_32 = tpu.memref_squeeze %dma_start3A_31 : memref<1x1x96x64xf32, #tpu.memory_space<vmem>> -> memref<96x64xf32, #tpu.memory_space<vmem>>
    %dma_start3A_33 = arith.constant 0 : i32
    %dma_start3A_34 = tpu.memref_slice %arg6[%dma_start3A_26, %dma_start3A_33] : memref<128x96xi32, #tpu.memory_space<vmem>> -> memref<1x96xi32, #tpu.memory_space<vmem>>
    %dma_start3A_35 = tpu.memref_squeeze %dma_start3A_34 : memref<1x96xi32, #tpu.memory_space<vmem>> -> memref<96xi32, #tpu.memory_space<vmem>>
    %dma_start3A_36 = arith.constant 0 : i32
    %dma_start3A_37 = arith.constant 0 : i32
    %dma_start3A_38 = tpu.memref_slice %arg2[%dma_start3A_36, %dma_start3A_37] : memref<1000000x64xf32, #tpu.memory_space<hbm>> -> memref<1000000x64xf32, #tpu.memory_space<hbm>>
    tpu.enqueue_indirect_dma source(%dma_start3A_38 : memref<1000000x64xf32, #tpu.memory_space<hbm>>) target(%dma_start3A_32 : memref<96x64xf32, #tpu.memory_space<vmem>>) offsets(%dma_start3A_35 : memref<96xi32, #tpu.memory_space<vmem>>) semaphore(%arg8 : memref<!tpu.dma_semaphore, #tpu.memory_space<semaphore_mem>>)
    %dma_start3A_39 = arith.constant 1 : i32
    %dma_start3A_40 = arith.constant 0 : i32
    %dma_start3A_41 = arith.constant 2 : i32
    %dma_start3A_42 = arith.constant 0 : i32
    %dma_start3A_43 = arith.constant 0 : i32
    %dma_start3A_44 = tpu.memref_slice %arg7[%dma_start3A_40, %dma_start3A_41, %dma_start3A_42, %dma_start3A_43] : memref<2x4x104x64xf32, #tpu.memory_space<vmem>> -> memref<1x1x104x64xf32, #tpu.memory_space<vmem>>
    %dma_start3A_45 = tpu.memref_squeeze %dma_start3A_44 : memref<1x1x104x64xf32, #tpu.memory_space<vmem>> -> memref<104x64xf32, #tpu.memory_space<vmem>>
    %dma_start3A_46 = arith.constant 0 : i32
    %dma_start3A_47 = tpu.memref_slice %arg5[%dma_start3A_39, %dma_start3A_46] : memref<128x104xi32, #tpu.memory_space<vmem>> -> memref<1x104xi32, #tpu.memory_space<vmem>>
    %dma_start3A_48 = tpu.memref_squeeze %dma_start3A_47 : memref<1x104xi32, #tpu.memory_space<vmem>> -> memref<104xi32, #tpu.memory_space<vmem>>
    %dma_start3A_49 = arith.constant 0 : i32
    %dma_start3A_50 = arith.constant 0 : i32
    %dma_start3A_51 = tpu.memref_slice %arg2[%dma_start3A_49, %dma_start3A_50] : memref<1000000x64xf32, #tpu.memory_space<hbm>> -> memref<1000000x64xf32, #tpu.memory_space<hbm>>
    tpu.enqueue_indirect_dma source(%dma_start3A_51 : memref<1000000x64xf32, #tpu.memory_space<hbm>>) target(%dma_start3A_45 : memref<104x64xf32, #tpu.memory_space<vmem>>) offsets(%dma_start3A_48 : memref<104xi32, #tpu.memory_space<vmem>>) semaphore(%arg8 : memref<!tpu.dma_semaphore, #tpu.memory_space<semaphore_mem>>)
    %dma_start3A_52 = arith.constant 1 : i32
    %dma_start3A_53 = arith.constant 0 : i32
    %dma_start3A_54 = arith.constant 3 : i32
    %dma_start3A_55 = arith.constant 0 : i32
    %dma_start3A_56 = arith.constant 0 : i32
    %dma_start3A_57 = tpu.memref_slice %arg7[%dma_start3A_53, %dma_start3A_54, %dma_start3A_55, %dma_start3A_56] : memref<2x4x104x64xf32, #tpu.memory_space<vmem>> -> memref<1x1x96x64xf32, #tpu.memory_space<vmem>>
    %dma_start3A_58 = tpu.memref_squeeze %dma_start3A_57 : memref<1x1x96x64xf32, #tpu.memory_space<vmem>> -> memref<96x64xf32, #tpu.memory_space<vmem>>
    %dma_start3A_59 = arith.constant 0 : i32
    %dma_start3A_60 = tpu.memref_slice %arg6[%dma_start3A_52, %dma_start3A_59] : memref<128x96xi32, #tpu.memory_space<vmem>> -> memref<1x96xi32, #tpu.memory_space<vmem>>
    %dma_start3A_61 = tpu.memref_squeeze %dma_start3A_60 : memref<1x96xi32, #tpu.memory_space<vmem>> -> memref<96xi32, #tpu.memory_space<vmem>>
    %dma_start3A_62 = arith.constant 0 : i32
    %dma_start3A_63 = arith.constant 0 : i32
    %dma_start3A_64 = tpu.memref_slice %arg2[%dma_start3A_62, %dma_start3A_63] : memref<1000000x64xf32, #tpu.memory_space<hbm>> -> memref<1000000x64xf32, #tpu.memory_space<hbm>>
    tpu.enqueue_indirect_dma source(%dma_start3A_64 : memref<1000000x64xf32, #tpu.memory_space<hbm>>) target(%dma_start3A_58 : memref<96x64xf32, #tpu.memory_space<vmem>>) offsets(%dma_start3A_61 : memref<96xi32, #tpu.memory_space<vmem>>) semaphore(%arg8 : memref<!tpu.dma_semaphore, #tpu.memory_space<semaphore_mem>>)
    %scan3A_65 = arith.constant 0 : i32
    %scan3A_66 = arith.constant 0 : i32
    %scan3A_67 = arith.constant 32 : i32
    %scan3A_68 = arith.addi %scan3A_66, %scan3A_67 : i32
    %scan3A_69 = arith.constant 1 : i32
    scf.for %scan3A_134 = %scan3A_66 to %scan3A_68 step %scan3A_69  : i32 {
      %gt3A = arith.constant 0 : i32
      %gt3A_135 = arith.cmpi sgt, %scan3A_134, %gt3A : i32
      %convert_element_type3A = arith.extui %gt3A_135 : i1 to i32
      %cond3A = arith.constant 0 : i32
      %cond3A_136 = arith.cmpi ne, %convert_element_type3A, %cond3A : i32
      scf.if %cond3A_136 {
        %dma_wait3A_591 = arith.constant 1 : i32
        %dma_wait3A_592 = arith.constant 0 : i32
        %dma_wait3A_593 = arith.constant 0 : i32
        %dma_wait3A_594 = arith.constant 0 : i32
        %dma_wait3A_595 = tpu.memref_slice %arg7[%dma_wait3A_591, %dma_wait3A_592, %dma_wait3A_593, %dma_wait3A_594] : memref<2x4x104x64xf32, #tpu.memory_space<vmem>> -> memref<1x1x104x64xf32, #tpu.memory_space<vmem>>
        %dma_wait3A_596 = tpu.memref_squeeze %dma_wait3A_595 : memref<1x1x104x64xf32, #tpu.memory_space<vmem>> -> memref<104x64xf32, #tpu.memory_space<vmem>>
        %dma_wait3A_597 = arith.constant 0 : i32
        %dma_wait3A_598 = arith.constant 0 : i32
        %dma_wait3A_599 = tpu.memref_slice %arg4[%dma_wait3A_597, %dma_wait3A_598] : memref<819200x64xf32, #tpu.memory_space<hbm>> -> memref<104x64xf32, #tpu.memory_space<hbm>>
        %dma_wait3A_600 = arith.constant 0 : i32
        %dma_wait3A_601 = arith.constant 0 : i32
        %dma_wait3A_602 = tpu.memref_slice %arg4[%dma_wait3A_600, %dma_wait3A_601] : memref<819200x64xf32, #tpu.memory_space<hbm>> -> memref<104x64xf32, #tpu.memory_space<hbm>>
        %dma_wait3A_603 = arith.constant 0 : i32
        %dma_wait3A_604 = arith.constant 0 : i32
        %dma_wait3A_605 = tpu.memref_slice %arg7[%dma_wait3A_591, %dma_wait3A_592, %dma_wait3A_603, %dma_wait3A_604] : memref<2x4x104x64xf32, #tpu.memory_space<vmem>> -> memref<1x1x104x64xf32, #tpu.memory_space<vmem>>
        %dma_wait3A_606 = tpu.memref_squeeze %dma_wait3A_605 : memref<1x1x104x64xf32, #tpu.memory_space<vmem>> -> memref<104x64xf32, #tpu.memory_space<vmem>>
        tpu.wait_dma2 semaphore(%arg11 : memref<!tpu.dma_semaphore, #tpu.memory_space<semaphore_mem>>) src(%dma_wait3A_606 : memref<104x64xf32, #tpu.memory_space<vmem>>) dst(%dma_wait3A_602 : memref<104x64xf32, #tpu.memory_space<hbm>>)
        %dma_wait3A_607 = arith.constant 1 : i32
        %dma_wait3A_608 = arith.constant 1 : i32
        %dma_wait3A_609 = arith.constant 0 : i32
        %dma_wait3A_610 = arith.constant 0 : i32
        %dma_wait3A_611 = tpu.memref_slice %arg7[%dma_wait3A_607, %dma_wait3A_608, %dma_wait3A_609, %dma_wait3A_610] : memref<2x4x104x64xf32, #tpu.memory_space<vmem>> -> memref<1x1x96x64xf32, #tpu.memory_space<vmem>>
        %dma_wait3A_612 = tpu.memref_squeeze %dma_wait3A_611 : memref<1x1x96x64xf32, #tpu.memory_space<vmem>> -> memref<96x64xf32, #tpu.memory_space<vmem>>
        %dma_wait3A_613 = arith.constant 0 : i32
        %dma_wait3A_614 = arith.constant 0 : i32
        %dma_wait3A_615 = tpu.memref_slice %arg4[%dma_wait3A_613, %dma_wait3A_614] : memref<819200x64xf32, #tpu.memory_space<hbm>> -> memref<96x64xf32, #tpu.memory_space<hbm>>
        %dma_wait3A_616 = arith.constant 0 : i32
        %dma_wait3A_617 = arith.constant 0 : i32
        %dma_wait3A_618 = tpu.memref_slice %arg4[%dma_wait3A_616, %dma_wait3A_617] : memref<819200x64xf32, #tpu.memory_space<hbm>> -> memref<96x64xf32, #tpu.memory_space<hbm>>
        %dma_wait3A_619 = arith.constant 0 : i32
        %dma_wait3A_620 = arith.constant 0 : i32
        %dma_wait3A_621 = tpu.memref_slice %arg7[%dma_wait3A_607, %dma_wait3A_608, %dma_wait3A_619, %dma_wait3A_620] : memref<2x4x104x64xf32, #tpu.memory_space<vmem>> -> memref<1x1x96x64xf32, #tpu.memory_space<vmem>>
        %dma_wait3A_622 = tpu.memref_squeeze %dma_wait3A_621 : memref<1x1x96x64xf32, #tpu.memory_space<vmem>> -> memref<96x64xf32, #tpu.memory_space<vmem>>
        tpu.wait_dma2 semaphore(%arg11 : memref<!tpu.dma_semaphore, #tpu.memory_space<semaphore_mem>>) src(%dma_wait3A_622 : memref<96x64xf32, #tpu.memory_space<vmem>>) dst(%dma_wait3A_618 : memref<96x64xf32, #tpu.memory_space<hbm>>)
        %dma_wait3A_623 = arith.constant 1 : i32
        %dma_wait3A_624 = arith.constant 2 : i32
        %dma_wait3A_625 = arith.constant 0 : i32
        %dma_wait3A_626 = arith.constant 0 : i32
        %dma_wait3A_627 = tpu.memref_slice %arg7[%dma_wait3A_623, %dma_wait3A_624, %dma_wait3A_625, %dma_wait3A_626] : memref<2x4x104x64xf32, #tpu.memory_space<vmem>> -> memref<1x1x104x64xf32, #tpu.memory_space<vmem>>
        %dma_wait3A_628 = tpu.memref_squeeze %dma_wait3A_627 : memref<1x1x104x64xf32, #tpu.memory_space<vmem>> -> memref<104x64xf32, #tpu.memory_space<vmem>>
        %dma_wait3A_629 = arith.constant 0 : i32
        %dma_wait3A_630 = arith.constant 0 : i32
        %dma_wait3A_631 = tpu.memref_slice %arg4[%dma_wait3A_629, %dma_wait3A_630] : memref<819200x64xf32, #tpu.memory_space<hbm>> -> memref<104x64xf32, #tpu.memory_space<hbm>>
        %dma_wait3A_632 = arith.constant 0 : i32
        %dma_wait3A_633 = arith.constant 0 : i32
        %dma_wait3A_634 = tpu.memref_slice %arg4[%dma_wait3A_632, %dma_wait3A_633] : memref<819200x64xf32, #tpu.memory_space<hbm>> -> memref<104x64xf32, #tpu.memory_space<hbm>>
        %dma_wait3A_635 = arith.constant 0 : i32
        %dma_wait3A_636 = arith.constant 0 : i32
        %dma_wait3A_637 = tpu.memref_slice %arg7[%dma_wait3A_623, %dma_wait3A_624, %dma_wait3A_635, %dma_wait3A_636] : memref<2x4x104x64xf32, #tpu.memory_space<vmem>> -> memref<1x1x104x64xf32, #tpu.memory_space<vmem>>
        %dma_wait3A_638 = tpu.memref_squeeze %dma_wait3A_637 : memref<1x1x104x64xf32, #tpu.memory_space<vmem>> -> memref<104x64xf32, #tpu.memory_space<vmem>>
        tpu.wait_dma2 semaphore(%arg11 : memref<!tpu.dma_semaphore, #tpu.memory_space<semaphore_mem>>) src(%dma_wait3A_638 : memref<104x64xf32, #tpu.memory_space<vmem>>) dst(%dma_wait3A_634 : memref<104x64xf32, #tpu.memory_space<hbm>>)
        %dma_wait3A_639 = arith.constant 1 : i32
        %dma_wait3A_640 = arith.constant 3 : i32
        %dma_wait3A_641 = arith.constant 0 : i32
        %dma_wait3A_642 = arith.constant 0 : i32
        %dma_wait3A_643 = tpu.memref_slice %arg7[%dma_wait3A_639, %dma_wait3A_640, %dma_wait3A_641, %dma_wait3A_642] : memref<2x4x104x64xf32, #tpu.memory_space<vmem>> -> memref<1x1x96x64xf32, #tpu.memory_space<vmem>>
        %dma_wait3A_644 = tpu.memref_squeeze %dma_wait3A_643 : memref<1x1x96x64xf32, #tpu.memory_space<vmem>> -> memref<96x64xf32, #tpu.memory_space<vmem>>
        %dma_wait3A_645 = arith.constant 0 : i32
        %dma_wait3A_646 = arith.constant 0 : i32
        %dma_wait3A_647 = tpu.memref_slice %arg4[%dma_wait3A_645, %dma_wait3A_646] : memref<819200x64xf32, #tpu.memory_space<hbm>> -> memref<96x64xf32, #tpu.memory_space<hbm>>
        %dma_wait3A_648 = arith.constant 0 : i32
        %dma_wait3A_649 = arith.constant 0 : i32
        %dma_wait3A_650 = tpu.memref_slice %arg4[%dma_wait3A_648, %dma_wait3A_649] : memref<819200x64xf32, #tpu.memory_space<hbm>> -> memref<96x64xf32, #tpu.memory_space<hbm>>
        %dma_wait3A_651 = arith.constant 0 : i32
        %dma_wait3A_652 = arith.constant 0 : i32
        %dma_wait3A_653 = tpu.memref_slice %arg7[%dma_wait3A_639, %dma_wait3A_640, %dma_wait3A_651, %dma_wait3A_652] : memref<2x4x104x64xf32, #tpu.memory_space<vmem>> -> memref<1x1x96x64xf32, #tpu.memory_space<vmem>>
        %dma_wait3A_654 = tpu.memref_squeeze %dma_wait3A_653 : memref<1x1x96x64xf32, #tpu.memory_space<vmem>> -> memref<96x64xf32, #tpu.memory_space<vmem>>
        tpu.wait_dma2 semaphore(%arg11 : memref<!tpu.dma_semaphore, #tpu.memory_space<semaphore_mem>>) src(%dma_wait3A_654 : memref<96x64xf32, #tpu.memory_space<vmem>>) dst(%dma_wait3A_650 : memref<96x64xf32, #tpu.memory_space<hbm>>)
      } else {
      }
      %mul3A_137 = arith.constant 2 : i32
      %mul3A_138 = arith.muli %mul3A_137, %scan3A_134 : i32
      %add3A_139 = arith.constant 1 : i32
      %add3A_140 = arith.addi %mul3A_138, %add3A_139 : i32
      %mul3A_141 = arith.constant 2 : i32
      %mul3A_142 = arith.muli %mul3A_141, %add3A_140 : i32
      %add3A_143 = arith.constant 0 : i32
      %add3A_144 = arith.addi %mul3A_142, %add3A_143 : i32
      %dma_start3A_145 = arith.constant 1 : i32
      %dma_start3A_146 = arith.constant 0 : i32
      %dma_start3A_147 = arith.constant 0 : i32
      %dma_start3A_148 = arith.constant 0 : i32
      %dma_start3A_149 = tpu.memref_slice %arg7[%dma_start3A_145, %dma_start3A_146, %dma_start3A_147, %dma_start3A_148] : memref<2x4x104x64xf32, #tpu.memory_space<vmem>> -> memref<1x1x104x64xf32, #tpu.memory_space<vmem>>
      %dma_start3A_150 = tpu.memref_squeeze %dma_start3A_149 : memref<1x1x104x64xf32, #tpu.memory_space<vmem>> -> memref<104x64xf32, #tpu.memory_space<vmem>>
      %dma_start3A_151 = arith.constant 0 : i32
      %dma_start3A_152 = tpu.memref_slice %arg5[%add3A_144, %dma_start3A_151] : memref<128x104xi32, #tpu.memory_space<vmem>> -> memref<1x104xi32, #tpu.memory_space<vmem>>
      %dma_start3A_153 = tpu.memref_squeeze %dma_start3A_152 : memref<1x104xi32, #tpu.memory_space<vmem>> -> memref<104xi32, #tpu.memory_space<vmem>>
      %dma_start3A_154 = arith.constant 0 : i32
      %dma_start3A_155 = arith.constant 0 : i32
      %dma_start3A_156 = tpu.memref_slice %arg2[%dma_start3A_154, %dma_start3A_155] : memref<1000000x64xf32, #tpu.memory_space<hbm>> -> memref<1000000x64xf32, #tpu.memory_space<hbm>>
      tpu.enqueue_indirect_dma source(%dma_start3A_156 : memref<1000000x64xf32, #tpu.memory_space<hbm>>) target(%dma_start3A_150 : memref<104x64xf32, #tpu.memory_space<vmem>>) offsets(%dma_start3A_153 : memref<104xi32, #tpu.memory_space<vmem>>) semaphore(%arg9 : memref<!tpu.dma_semaphore, #tpu.memory_space<semaphore_mem>>)
      %mul3A_157 = arith.constant 2 : i32
      %mul3A_158 = arith.muli %mul3A_157, %add3A_140 : i32
      %add3A_159 = arith.constant 0 : i32
      %add3A_160 = arith.addi %mul3A_158, %add3A_159 : i32
      %dma_start3A_161 = arith.constant 1 : i32
      %dma_start3A_162 = arith.constant 1 : i32
      %dma_start3A_163 = arith.constant 0 : i32
      %dma_start3A_164 = arith.constant 0 : i32
      %dma_start3A_165 = tpu.memref_slice %arg7[%dma_start3A_161, %dma_start3A_162, %dma_start3A_163, %dma_start3A_164] : memref<2x4x104x64xf32, #tpu.memory_space<vmem>> -> memref<1x1x96x64xf32, #tpu.memory_space<vmem>>
      %dma_start3A_166 = tpu.memref_squeeze %dma_start3A_165 : memref<1x1x96x64xf32, #tpu.memory_space<vmem>> -> memref<96x64xf32, #tpu.memory_space<vmem>>
      %dma_start3A_167 = arith.constant 0 : i32
      %dma_start3A_168 = tpu.memref_slice %arg6[%add3A_160, %dma_start3A_167] : memref<128x96xi32, #tpu.memory_space<vmem>> -> memref<1x96xi32, #tpu.memory_space<vmem>>
      %dma_start3A_169 = tpu.memref_squeeze %dma_start3A_168 : memref<1x96xi32, #tpu.memory_space<vmem>> -> memref<96xi32, #tpu.memory_space<vmem>>
      %dma_start3A_170 = arith.constant 0 : i32
      %dma_start3A_171 = arith.constant 0 : i32
      %dma_start3A_172 = tpu.memref_slice %arg2[%dma_start3A_170, %dma_start3A_171] : memref<1000000x64xf32, #tpu.memory_space<hbm>> -> memref<1000000x64xf32, #tpu.memory_space<hbm>>
      tpu.enqueue_indirect_dma source(%dma_start3A_172 : memref<1000000x64xf32, #tpu.memory_space<hbm>>) target(%dma_start3A_166 : memref<96x64xf32, #tpu.memory_space<vmem>>) offsets(%dma_start3A_169 : memref<96xi32, #tpu.memory_space<vmem>>) semaphore(%arg9 : memref<!tpu.dma_semaphore, #tpu.memory_space<semaphore_mem>>)
      %mul3A_173 = arith.constant 2 : i32
      %mul3A_174 = arith.muli %mul3A_173, %add3A_140 : i32
      %add3A_175 = arith.constant 1 : i32
      %add3A_176 = arith.addi %mul3A_174, %add3A_175 : i32
      %dma_start3A_177 = arith.constant 1 : i32
      %dma_start3A_178 = arith.constant 2 : i32
      %dma_start3A_179 = arith.constant 0 : i32
      %dma_start3A_180 = arith.constant 0 : i32
      %dma_start3A_181 = tpu.memref_slice %arg7[%dma_start3A_177, %dma_start3A_178, %dma_start3A_179, %dma_start3A_180] : memref<2x4x104x64xf32, #tpu.memory_space<vmem>> -> memref<1x1x104x64xf32, #tpu.memory_space<vmem>>
      %dma_start3A_182 = tpu.memref_squeeze %dma_start3A_181 : memref<1x1x104x64xf32, #tpu.memory_space<vmem>> -> memref<104x64xf32, #tpu.memory_space<vmem>>
      %dma_start3A_183 = arith.constant 0 : i32
      %dma_start3A_184 = tpu.memref_slice %arg5[%add3A_176, %dma_start3A_183] : memref<128x104xi32, #tpu.memory_space<vmem>> -> memref<1x104xi32, #tpu.memory_space<vmem>>
      %dma_start3A_185 = tpu.memref_squeeze %dma_start3A_184 : memref<1x104xi32, #tpu.memory_space<vmem>> -> memref<104xi32, #tpu.memory_space<vmem>>
      %dma_start3A_186 = arith.constant 0 : i32
      %dma_start3A_187 = arith.constant 0 : i32
      %dma_start3A_188 = tpu.memref_slice %arg2[%dma_start3A_186, %dma_start3A_187] : memref<1000000x64xf32, #tpu.memory_space<hbm>> -> memref<1000000x64xf32, #tpu.memory_space<hbm>>
      tpu.enqueue_indirect_dma source(%dma_start3A_188 : memref<1000000x64xf32, #tpu.memory_space<hbm>>) target(%dma_start3A_182 : memref<104x64xf32, #tpu.memory_space<vmem>>) offsets(%dma_start3A_185 : memref<104xi32, #tpu.memory_space<vmem>>) semaphore(%arg9 : memref<!tpu.dma_semaphore, #tpu.memory_space<semaphore_mem>>)
      %mul3A_189 = arith.constant 2 : i32
      %mul3A_190 = arith.muli %mul3A_189, %add3A_140 : i32
      %add3A_191 = arith.constant 1 : i32
      %add3A_192 = arith.addi %mul3A_190, %add3A_191 : i32
      %dma_start3A_193 = arith.constant 1 : i32
      %dma_start3A_194 = arith.constant 3 : i32
      %dma_start3A_195 = arith.constant 0 : i32
      %dma_start3A_196 = arith.constant 0 : i32
      %dma_start3A_197 = tpu.memref_slice %arg7[%dma_start3A_193, %dma_start3A_194, %dma_start3A_195, %dma_start3A_196] : memref<2x4x104x64xf32, #tpu.memory_space<vmem>> -> memref<1x1x96x64xf32, #tpu.memory_space<vmem>>
      %dma_start3A_198 = tpu.memref_squeeze %dma_start3A_197 : memref<1x1x96x64xf32, #tpu.memory_space<vmem>> -> memref<96x64xf32, #tpu.memory_space<vmem>>
      %dma_start3A_199 = arith.constant 0 : i32
      %dma_start3A_200 = tpu.memref_slice %arg6[%add3A_192, %dma_start3A_199] : memref<128x96xi32, #tpu.memory_space<vmem>> -> memref<1x96xi32, #tpu.memory_space<vmem>>
      %dma_start3A_201 = tpu.memref_squeeze %dma_start3A_200 : memref<1x96xi32, #tpu.memory_space<vmem>> -> memref<96xi32, #tpu.memory_space<vmem>>
      %dma_start3A_202 = arith.constant 0 : i32
      %dma_start3A_203 = arith.constant 0 : i32
      %dma_start3A_204 = tpu.memref_slice %arg2[%dma_start3A_202, %dma_start3A_203] : memref<1000000x64xf32, #tpu.memory_space<hbm>> -> memref<1000000x64xf32, #tpu.memory_space<hbm>>
      tpu.enqueue_indirect_dma source(%dma_start3A_204 : memref<1000000x64xf32, #tpu.memory_space<hbm>>) target(%dma_start3A_198 : memref<96x64xf32, #tpu.memory_space<vmem>>) offsets(%dma_start3A_201 : memref<96xi32, #tpu.memory_space<vmem>>) semaphore(%arg9 : memref<!tpu.dma_semaphore, #tpu.memory_space<semaphore_mem>>)
      %dma_wait3A_205 = arith.constant 0 : i32
      %dma_wait3A_206 = arith.constant 0 : i32
      %dma_wait3A_207 = arith.constant 0 : i32
      %dma_wait3A_208 = arith.constant 0 : i32
      %dma_wait3A_209 = tpu.memref_slice %arg7[%dma_wait3A_205, %dma_wait3A_206, %dma_wait3A_207, %dma_wait3A_208] : memref<2x4x104x64xf32, #tpu.memory_space<vmem>> -> memref<1x1x104x64xf32, #tpu.memory_space<vmem>>
      %dma_wait3A_210 = tpu.memref_squeeze %dma_wait3A_209 : memref<1x1x104x64xf32, #tpu.memory_space<vmem>> -> memref<104x64xf32, #tpu.memory_space<vmem>>
      %dma_wait3A_211 = arith.constant 0 : i32
      %dma_wait3A_212 = arith.constant 0 : i32
      %dma_wait3A_213 = tpu.memref_slice %arg2[%dma_wait3A_211, %dma_wait3A_212] : memref<1000000x64xf32, #tpu.memory_space<hbm>> -> memref<104x64xf32, #tpu.memory_space<hbm>>
      %dma_wait3A_214 = arith.constant 0 : i32
      %dma_wait3A_215 = arith.constant 0 : i32
      %dma_wait3A_216 = tpu.memref_slice %arg7[%dma_wait3A_205, %dma_wait3A_206, %dma_wait3A_214, %dma_wait3A_215] : memref<2x4x104x64xf32, #tpu.memory_space<vmem>> -> memref<1x1x104x64xf32, #tpu.memory_space<vmem>>
      %dma_wait3A_217 = tpu.memref_squeeze %dma_wait3A_216 : memref<1x1x104x64xf32, #tpu.memory_space<vmem>> -> memref<104x64xf32, #tpu.memory_space<vmem>>
      %dma_wait3A_218 = arith.constant 0 : i32
      %dma_wait3A_219 = arith.constant 0 : i32
      %dma_wait3A_220 = tpu.memref_slice %arg2[%dma_wait3A_218, %dma_wait3A_219] : memref<1000000x64xf32, #tpu.memory_space<hbm>> -> memref<104x64xf32, #tpu.memory_space<hbm>>
      tpu.wait_dma2 semaphore(%arg8 : memref<!tpu.dma_semaphore, #tpu.memory_space<semaphore_mem>>) src(%dma_wait3A_220 : memref<104x64xf32, #tpu.memory_space<hbm>>) dst(%dma_wait3A_217 : memref<104x64xf32, #tpu.memory_space<vmem>>)
      %dma_wait3A_221 = arith.constant 0 : i32
      %dma_wait3A_222 = arith.constant 1 : i32
      %dma_wait3A_223 = arith.constant 0 : i32
      %dma_wait3A_224 = arith.constant 0 : i32
      %dma_wait3A_225 = tpu.memref_slice %arg7[%dma_wait3A_221, %dma_wait3A_222, %dma_wait3A_223, %dma_wait3A_224] : memref<2x4x104x64xf32, #tpu.memory_space<vmem>> -> memref<1x1x96x64xf32, #tpu.memory_space<vmem>>
      %dma_wait3A_226 = tpu.memref_squeeze %dma_wait3A_225 : memref<1x1x96x64xf32, #tpu.memory_space<vmem>> -> memref<96x64xf32, #tpu.memory_space<vmem>>
      %dma_wait3A_227 = arith.constant 0 : i32
      %dma_wait3A_228 = arith.constant 0 : i32
      %dma_wait3A_229 = tpu.memref_slice %arg2[%dma_wait3A_227, %dma_wait3A_228] : memref<1000000x64xf32, #tpu.memory_space<hbm>> -> memref<96x64xf32, #tpu.memory_space<hbm>>
      %dma_wait3A_230 = arith.constant 0 : i32
      %dma_wait3A_231 = arith.constant 0 : i32
      %dma_wait3A_232 = tpu.memref_slice %arg7[%dma_wait3A_221, %dma_wait3A_222, %dma_wait3A_230, %dma_wait3A_231] : memref<2x4x104x64xf32, #tpu.memory_space<vmem>> -> memref<1x1x96x64xf32, #tpu.memory_space<vmem>>
      %dma_wait3A_233 = tpu.memref_squeeze %dma_wait3A_232 : memref<1x1x96x64xf32, #tpu.memory_space<vmem>> -> memref<96x64xf32, #tpu.memory_space<vmem>>
      %dma_wait3A_234 = arith.constant 0 : i32
      %dma_wait3A_235 = arith.constant 0 : i32
      %dma_wait3A_236 = tpu.memref_slice %arg2[%dma_wait3A_234, %dma_wait3A_235] : memref<1000000x64xf32, #tpu.memory_space<hbm>> -> memref<96x64xf32, #tpu.memory_space<hbm>>
      tpu.wait_dma2 semaphore(%arg8 : memref<!tpu.dma_semaphore, #tpu.memory_space<semaphore_mem>>) src(%dma_wait3A_236 : memref<96x64xf32, #tpu.memory_space<hbm>>) dst(%dma_wait3A_233 : memref<96x64xf32, #tpu.memory_space<vmem>>)
      %dma_wait3A_237 = arith.constant 0 : i32
      %dma_wait3A_238 = arith.constant 2 : i32
      %dma_wait3A_239 = arith.constant 0 : i32
      %dma_wait3A_240 = arith.constant 0 : i32
      %dma_wait3A_241 = tpu.memref_slice %arg7[%dma_wait3A_237, %dma_wait3A_238, %dma_wait3A_239, %dma_wait3A_240] : memref<2x4x104x64xf32, #tpu.memory_space<vmem>> -> memref<1x1x104x64xf32, #tpu.memory_space<vmem>>
      %dma_wait3A_242 = tpu.memref_squeeze %dma_wait3A_241 : memref<1x1x104x64xf32, #tpu.memory_space<vmem>> -> memref<104x64xf32, #tpu.memory_space<vmem>>
      %dma_wait3A_243 = arith.constant 0 : i32
      %dma_wait3A_244 = arith.constant 0 : i32
      %dma_wait3A_245 = tpu.memref_slice %arg2[%dma_wait3A_243, %dma_wait3A_244] : memref<1000000x64xf32, #tpu.memory_space<hbm>> -> memref<104x64xf32, #tpu.memory_space<hbm>>
      %dma_wait3A_246 = arith.constant 0 : i32
      %dma_wait3A_247 = arith.constant 0 : i32
      %dma_wait3A_248 = tpu.memref_slice %arg7[%dma_wait3A_237, %dma_wait3A_238, %dma_wait3A_246, %dma_wait3A_247] : memref<2x4x104x64xf32, #tpu.memory_space<vmem>> -> memref<1x1x104x64xf32, #tpu.memory_space<vmem>>
      %dma_wait3A_249 = tpu.memref_squeeze %dma_wait3A_248 : memref<1x1x104x64xf32, #tpu.memory_space<vmem>> -> memref<104x64xf32, #tpu.memory_space<vmem>>
      %dma_wait3A_250 = arith.constant 0 : i32
      %dma_wait3A_251 = arith.constant 0 : i32
      %dma_wait3A_252 = tpu.memref_slice %arg2[%dma_wait3A_250, %dma_wait3A_251] : memref<1000000x64xf32, #tpu.memory_space<hbm>> -> memref<104x64xf32, #tpu.memory_space<hbm>>
      tpu.wait_dma2 semaphore(%arg8 : memref<!tpu.dma_semaphore, #tpu.memory_space<semaphore_mem>>) src(%dma_wait3A_252 : memref<104x64xf32, #tpu.memory_space<hbm>>) dst(%dma_wait3A_249 : memref<104x64xf32, #tpu.memory_space<vmem>>)
      %dma_wait3A_253 = arith.constant 0 : i32
      %dma_wait3A_254 = arith.constant 3 : i32
      %dma_wait3A_255 = arith.constant 0 : i32
      %dma_wait3A_256 = arith.constant 0 : i32
      %dma_wait3A_257 = tpu.memref_slice %arg7[%dma_wait3A_253, %dma_wait3A_254, %dma_wait3A_255, %dma_wait3A_256] : memref<2x4x104x64xf32, #tpu.memory_space<vmem>> -> memref<1x1x96x64xf32, #tpu.memory_space<vmem>>
      %dma_wait3A_258 = tpu.memref_squeeze %dma_wait3A_257 : memref<1x1x96x64xf32, #tpu.memory_space<vmem>> -> memref<96x64xf32, #tpu.memory_space<vmem>>
      %dma_wait3A_259 = arith.constant 0 : i32
      %dma_wait3A_260 = arith.constant 0 : i32
      %dma_wait3A_261 = tpu.memref_slice %arg2[%dma_wait3A_259, %dma_wait3A_260] : memref<1000000x64xf32, #tpu.memory_space<hbm>> -> memref<96x64xf32, #tpu.memory_space<hbm>>
      %dma_wait3A_262 = arith.constant 0 : i32
      %dma_wait3A_263 = arith.constant 0 : i32
      %dma_wait3A_264 = tpu.memref_slice %arg7[%dma_wait3A_253, %dma_wait3A_254, %dma_wait3A_262, %dma_wait3A_263] : memref<2x4x104x64xf32, #tpu.memory_space<vmem>> -> memref<1x1x96x64xf32, #tpu.memory_space<vmem>>
      %dma_wait3A_265 = tpu.memref_squeeze %dma_wait3A_264 : memref<1x1x96x64xf32, #tpu.memory_space<vmem>> -> memref<96x64xf32, #tpu.memory_space<vmem>>
      %dma_wait3A_266 = arith.constant 0 : i32
      %dma_wait3A_267 = arith.constant 0 : i32
      %dma_wait3A_268 = tpu.memref_slice %arg2[%dma_wait3A_266, %dma_wait3A_267] : memref<1000000x64xf32, #tpu.memory_space<hbm>> -> memref<96x64xf32, #tpu.memory_space<hbm>>
      tpu.wait_dma2 semaphore(%arg8 : memref<!tpu.dma_semaphore, #tpu.memory_space<semaphore_mem>>) src(%dma_wait3A_268 : memref<96x64xf32, #tpu.memory_space<hbm>>) dst(%dma_wait3A_265 : memref<96x64xf32, #tpu.memory_space<vmem>>)
      %mul3A_269 = arith.constant 2 : i32
      %mul3A_270 = arith.muli %mul3A_269, %scan3A_134 : i32
      %mul3A_271 = arith.constant 2 : i32
      %mul3A_272 = arith.muli %mul3A_271, %mul3A_270 : i32
      %add3A_273 = arith.addi %mul3A_2, %mul3A_272 : i32
      %add3A_274 = arith.constant 0 : i32
      %add3A_275 = arith.addi %add3A_273, %add3A_274 : i32
      %mul3A_276 = arith.constant 200 : i32
      %mul3A_277 = arith.muli %add3A_275, %mul3A_276 : i32
      %add3A_278 = arith.constant 0 : i32
      %add3A_279 = arith.addi %mul3A_277, %add3A_278 : i32
      %dma_start3A_280 = arith.constant 0 : i32
      %dma_start3A_281 = arith.constant 0 : i32
      %dma_start3A_282 = arith.constant 0 : i32
      %dma_start3A_283 = arith.constant 0 : i32
      %dma_start3A_284 = tpu.memref_slice %arg7[%dma_start3A_280, %dma_start3A_281, %dma_start3A_282, %dma_start3A_283] : memref<2x4x104x64xf32, #tpu.memory_space<vmem>> -> memref<1x1x104x64xf32, #tpu.memory_space<vmem>>
      %dma_start3A_285 = tpu.memref_squeeze %dma_start3A_284 : memref<1x1x104x64xf32, #tpu.memory_space<vmem>> -> memref<104x64xf32, #tpu.memory_space<vmem>>
      %dma_start3A_286 = arith.constant 0 : i32
      %dma_start3A_287 = tpu.memref_slice %arg4[%add3A_279, %dma_start3A_286] : memref<819200x64xf32, #tpu.memory_space<hbm>> -> memref<104x64xf32, #tpu.memory_space<hbm>>
      %dma_start3A_288 = arith.constant 0 : i32
      %dma_start3A_289 = tpu.memref_slice %arg4[%add3A_279, %dma_start3A_288] : memref<819200x64xf32, #tpu.memory_space<hbm>> -> memref<104x64xf32, #tpu.memory_space<hbm>>
      %dma_start3A_290 = arith.constant 0 : i32
      %dma_start3A_291 = arith.constant 0 : i32
      %dma_start3A_292 = tpu.memref_slice %arg7[%dma_start3A_280, %dma_start3A_281, %dma_start3A_290, %dma_start3A_291] : memref<2x4x104x64xf32, #tpu.memory_space<vmem>> -> memref<1x1x104x64xf32, #tpu.memory_space<vmem>>
      %dma_start3A_293 = tpu.memref_squeeze %dma_start3A_292 : memref<1x1x104x64xf32, #tpu.memory_space<vmem>> -> memref<104x64xf32, #tpu.memory_space<vmem>>
      tpu.enqueue_dma source(%dma_start3A_293 : memref<104x64xf32, #tpu.memory_space<vmem>>) target(%dma_start3A_289 : memref<104x64xf32, #tpu.memory_space<hbm>>) target_semaphore(%arg10 : memref<!tpu.dma_semaphore, #tpu.memory_space<semaphore_mem>>)
      %mul3A_294 = arith.constant 2 : i32
      %mul3A_295 = arith.muli %mul3A_294, %mul3A_270 : i32
      %add3A_296 = arith.addi %mul3A_2, %mul3A_295 : i32
      %add3A_297 = arith.constant 0 : i32
      %add3A_298 = arith.addi %add3A_296, %add3A_297 : i32
      %mul3A_299 = arith.constant 200 : i32
      %mul3A_300 = arith.muli %add3A_298, %mul3A_299 : i32
      %add3A_301 = arith.constant 104 : i32
      %add3A_302 = arith.addi %mul3A_300, %add3A_301 : i32
      %dma_start3A_303 = arith.constant 0 : i32
      %dma_start3A_304 = arith.constant 1 : i32
      %dma_start3A_305 = arith.constant 0 : i32
      %dma_start3A_306 = arith.constant 0 : i32
      %dma_start3A_307 = tpu.memref_slice %arg7[%dma_start3A_303, %dma_start3A_304, %dma_start3A_305, %dma_start3A_306] : memref<2x4x104x64xf32, #tpu.memory_space<vmem>> -> memref<1x1x96x64xf32, #tpu.memory_space<vmem>>
      %dma_start3A_308 = tpu.memref_squeeze %dma_start3A_307 : memref<1x1x96x64xf32, #tpu.memory_space<vmem>> -> memref<96x64xf32, #tpu.memory_space<vmem>>
      %dma_start3A_309 = arith.constant 0 : i32
      %dma_start3A_310 = tpu.memref_slice %arg4[%add3A_302, %dma_start3A_309] : memref<819200x64xf32, #tpu.memory_space<hbm>> -> memref<96x64xf32, #tpu.memory_space<hbm>>
      %dma_start3A_311 = arith.constant 0 : i32
      %dma_start3A_312 = tpu.memref_slice %arg4[%add3A_302, %dma_start3A_311] : memref<819200x64xf32, #tpu.memory_space<hbm>> -> memref<96x64xf32, #tpu.memory_space<hbm>>
      %dma_start3A_313 = arith.constant 0 : i32
      %dma_start3A_314 = arith.constant 0 : i32
      %dma_start3A_315 = tpu.memref_slice %arg7[%dma_start3A_303, %dma_start3A_304, %dma_start3A_313, %dma_start3A_314] : memref<2x4x104x64xf32, #tpu.memory_space<vmem>> -> memref<1x1x96x64xf32, #tpu.memory_space<vmem>>
      %dma_start3A_316 = tpu.memref_squeeze %dma_start3A_315 : memref<1x1x96x64xf32, #tpu.memory_space<vmem>> -> memref<96x64xf32, #tpu.memory_space<vmem>>
      tpu.enqueue_dma source(%dma_start3A_316 : memref<96x64xf32, #tpu.memory_space<vmem>>) target(%dma_start3A_312 : memref<96x64xf32, #tpu.memory_space<hbm>>) target_semaphore(%arg10 : memref<!tpu.dma_semaphore, #tpu.memory_space<semaphore_mem>>)
      %mul3A_317 = arith.constant 2 : i32
      %mul3A_318 = arith.muli %mul3A_317, %mul3A_270 : i32
      %add3A_319 = arith.addi %mul3A_2, %mul3A_318 : i32
      %add3A_320 = arith.constant 1 : i32
      %add3A_321 = arith.addi %add3A_319, %add3A_320 : i32
      %mul3A_322 = arith.constant 200 : i32
      %mul3A_323 = arith.muli %add3A_321, %mul3A_322 : i32
      %add3A_324 = arith.constant 0 : i32
      %add3A_325 = arith.addi %mul3A_323, %add3A_324 : i32
      %dma_start3A_326 = arith.constant 0 : i32
      %dma_start3A_327 = arith.constant 2 : i32
      %dma_start3A_328 = arith.constant 0 : i32
      %dma_start3A_329 = arith.constant 0 : i32
      %dma_start3A_330 = tpu.memref_slice %arg7[%dma_start3A_326, %dma_start3A_327, %dma_start3A_328, %dma_start3A_329] : memref<2x4x104x64xf32, #tpu.memory_space<vmem>> -> memref<1x1x104x64xf32, #tpu.memory_space<vmem>>
      %dma_start3A_331 = tpu.memref_squeeze %dma_start3A_330 : memref<1x1x104x64xf32, #tpu.memory_space<vmem>> -> memref<104x64xf32, #tpu.memory_space<vmem>>
      %dma_start3A_332 = arith.constant 0 : i32
      %dma_start3A_333 = tpu.memref_slice %arg4[%add3A_325, %dma_start3A_332] : memref<819200x64xf32, #tpu.memory_space<hbm>> -> memref<104x64xf32, #tpu.memory_space<hbm>>
      %dma_start3A_334 = arith.constant 0 : i32
      %dma_start3A_335 = tpu.memref_slice %arg4[%add3A_325, %dma_start3A_334] : memref<819200x64xf32, #tpu.memory_space<hbm>> -> memref<104x64xf32, #tpu.memory_space<hbm>>
      %dma_start3A_336 = arith.constant 0 : i32
      %dma_start3A_337 = arith.constant 0 : i32
      %dma_start3A_338 = tpu.memref_slice %arg7[%dma_start3A_326, %dma_start3A_327, %dma_start3A_336, %dma_start3A_337] : memref<2x4x104x64xf32, #tpu.memory_space<vmem>> -> memref<1x1x104x64xf32, #tpu.memory_space<vmem>>
      %dma_start3A_339 = tpu.memref_squeeze %dma_start3A_338 : memref<1x1x104x64xf32, #tpu.memory_space<vmem>> -> memref<104x64xf32, #tpu.memory_space<vmem>>
      tpu.enqueue_dma source(%dma_start3A_339 : memref<104x64xf32, #tpu.memory_space<vmem>>) target(%dma_start3A_335 : memref<104x64xf32, #tpu.memory_space<hbm>>) target_semaphore(%arg10 : memref<!tpu.dma_semaphore, #tpu.memory_space<semaphore_mem>>)
      %mul3A_340 = arith.constant 2 : i32
      %mul3A_341 = arith.muli %mul3A_340, %mul3A_270 : i32
      %add3A_342 = arith.addi %mul3A_2, %mul3A_341 : i32
      %add3A_343 = arith.constant 1 : i32
      %add3A_344 = arith.addi %add3A_342, %add3A_343 : i32
      %mul3A_345 = arith.constant 200 : i32
      %mul3A_346 = arith.muli %add3A_344, %mul3A_345 : i32
      %add3A_347 = arith.constant 104 : i32
      %add3A_348 = arith.addi %mul3A_346, %add3A_347 : i32
      %dma_start3A_349 = arith.constant 0 : i32
      %dma_start3A_350 = arith.constant 3 : i32
      %dma_start3A_351 = arith.constant 0 : i32
      %dma_start3A_352 = arith.constant 0 : i32
      %dma_start3A_353 = tpu.memref_slice %arg7[%dma_start3A_349, %dma_start3A_350, %dma_start3A_351, %dma_start3A_352] : memref<2x4x104x64xf32, #tpu.memory_space<vmem>> -> memref<1x1x96x64xf32, #tpu.memory_space<vmem>>
      %dma_start3A_354 = tpu.memref_squeeze %dma_start3A_353 : memref<1x1x96x64xf32, #tpu.memory_space<vmem>> -> memref<96x64xf32, #tpu.memory_space<vmem>>
      %dma_start3A_355 = arith.constant 0 : i32
      %dma_start3A_356 = tpu.memref_slice %arg4[%add3A_348, %dma_start3A_355] : memref<819200x64xf32, #tpu.memory_space<hbm>> -> memref<96x64xf32, #tpu.memory_space<hbm>>
      %dma_start3A_357 = arith.constant 0 : i32
      %dma_start3A_358 = tpu.memref_slice %arg4[%add3A_348, %dma_start3A_357] : memref<819200x64xf32, #tpu.memory_space<hbm>> -> memref<96x64xf32, #tpu.memory_space<hbm>>
      %dma_start3A_359 = arith.constant 0 : i32
      %dma_start3A_360 = arith.constant 0 : i32
      %dma_start3A_361 = tpu.memref_slice %arg7[%dma_start3A_349, %dma_start3A_350, %dma_start3A_359, %dma_start3A_360] : memref<2x4x104x64xf32, #tpu.memory_space<vmem>> -> memref<1x1x96x64xf32, #tpu.memory_space<vmem>>
      %dma_start3A_362 = tpu.memref_squeeze %dma_start3A_361 : memref<1x1x96x64xf32, #tpu.memory_space<vmem>> -> memref<96x64xf32, #tpu.memory_space<vmem>>
      tpu.enqueue_dma source(%dma_start3A_362 : memref<96x64xf32, #tpu.memory_space<vmem>>) target(%dma_start3A_358 : memref<96x64xf32, #tpu.memory_space<hbm>>) target_semaphore(%arg10 : memref<!tpu.dma_semaphore, #tpu.memory_space<semaphore_mem>>)
      %dma_wait3A_363 = arith.constant 0 : i32
      %dma_wait3A_364 = arith.constant 0 : i32
      %dma_wait3A_365 = arith.constant 0 : i32
      %dma_wait3A_366 = arith.constant 0 : i32
      %dma_wait3A_367 = tpu.memref_slice %arg7[%dma_wait3A_363, %dma_wait3A_364, %dma_wait3A_365, %dma_wait3A_366] : memref<2x4x104x64xf32, #tpu.memory_space<vmem>> -> memref<1x1x104x64xf32, #tpu.memory_space<vmem>>
      %dma_wait3A_368 = tpu.memref_squeeze %dma_wait3A_367 : memref<1x1x104x64xf32, #tpu.memory_space<vmem>> -> memref<104x64xf32, #tpu.memory_space<vmem>>
      %dma_wait3A_369 = arith.constant 0 : i32
      %dma_wait3A_370 = arith.constant 0 : i32
      %dma_wait3A_371 = tpu.memref_slice %arg4[%dma_wait3A_369, %dma_wait3A_370] : memref<819200x64xf32, #tpu.memory_space<hbm>> -> memref<104x64xf32, #tpu.memory_space<hbm>>
      %dma_wait3A_372 = arith.constant 0 : i32
      %dma_wait3A_373 = arith.constant 0 : i32
      %dma_wait3A_374 = tpu.memref_slice %arg4[%dma_wait3A_372, %dma_wait3A_373] : memref<819200x64xf32, #tpu.memory_space<hbm>> -> memref<104x64xf32, #tpu.memory_space<hbm>>
      %dma_wait3A_375 = arith.constant 0 : i32
      %dma_wait3A_376 = arith.constant 0 : i32
      %dma_wait3A_377 = tpu.memref_slice %arg7[%dma_wait3A_363, %dma_wait3A_364, %dma_wait3A_375, %dma_wait3A_376] : memref<2x4x104x64xf32, #tpu.memory_space<vmem>> -> memref<1x1x104x64xf32, #tpu.memory_space<vmem>>
      %dma_wait3A_378 = tpu.memref_squeeze %dma_wait3A_377 : memref<1x1x104x64xf32, #tpu.memory_space<vmem>> -> memref<104x64xf32, #tpu.memory_space<vmem>>
      tpu.wait_dma2 semaphore(%arg10 : memref<!tpu.dma_semaphore, #tpu.memory_space<semaphore_mem>>) src(%dma_wait3A_378 : memref<104x64xf32, #tpu.memory_space<vmem>>) dst(%dma_wait3A_374 : memref<104x64xf32, #tpu.memory_space<hbm>>)
      %dma_wait3A_379 = arith.constant 0 : i32
      %dma_wait3A_380 = arith.constant 1 : i32
      %dma_wait3A_381 = arith.constant 0 : i32
      %dma_wait3A_382 = arith.constant 0 : i32
      %dma_wait3A_383 = tpu.memref_slice %arg7[%dma_wait3A_379, %dma_wait3A_380, %dma_wait3A_381, %dma_wait3A_382] : memref<2x4x104x64xf32, #tpu.memory_space<vmem>> -> memref<1x1x96x64xf32, #tpu.memory_space<vmem>>
      %dma_wait3A_384 = tpu.memref_squeeze %dma_wait3A_383 : memref<1x1x96x64xf32, #tpu.memory_space<vmem>> -> memref<96x64xf32, #tpu.memory_space<vmem>>
      %dma_wait3A_385 = arith.constant 0 : i32
      %dma_wait3A_386 = arith.constant 0 : i32
      %dma_wait3A_387 = tpu.memref_slice %arg4[%dma_wait3A_385, %dma_wait3A_386] : memref<819200x64xf32, #tpu.memory_space<hbm>> -> memref<96x64xf32, #tpu.memory_space<hbm>>
      %dma_wait3A_388 = arith.constant 0 : i32
      %dma_wait3A_389 = arith.constant 0 : i32
      %dma_wait3A_390 = tpu.memref_slice %arg4[%dma_wait3A_388, %dma_wait3A_389] : memref<819200x64xf32, #tpu.memory_space<hbm>> -> memref<96x64xf32, #tpu.memory_space<hbm>>
      %dma_wait3A_391 = arith.constant 0 : i32
      %dma_wait3A_392 = arith.constant 0 : i32
      %dma_wait3A_393 = tpu.memref_slice %arg7[%dma_wait3A_379, %dma_wait3A_380, %dma_wait3A_391, %dma_wait3A_392] : memref<2x4x104x64xf32, #tpu.memory_space<vmem>> -> memref<1x1x96x64xf32, #tpu.memory_space<vmem>>
      %dma_wait3A_394 = tpu.memref_squeeze %dma_wait3A_393 : memref<1x1x96x64xf32, #tpu.memory_space<vmem>> -> memref<96x64xf32, #tpu.memory_space<vmem>>
      tpu.wait_dma2 semaphore(%arg10 : memref<!tpu.dma_semaphore, #tpu.memory_space<semaphore_mem>>) src(%dma_wait3A_394 : memref<96x64xf32, #tpu.memory_space<vmem>>) dst(%dma_wait3A_390 : memref<96x64xf32, #tpu.memory_space<hbm>>)
      %dma_wait3A_395 = arith.constant 0 : i32
      %dma_wait3A_396 = arith.constant 2 : i32
      %dma_wait3A_397 = arith.constant 0 : i32
      %dma_wait3A_398 = arith.constant 0 : i32
      %dma_wait3A_399 = tpu.memref_slice %arg7[%dma_wait3A_395, %dma_wait3A_396, %dma_wait3A_397, %dma_wait3A_398] : memref<2x4x104x64xf32, #tpu.memory_space<vmem>> -> memref<1x1x104x64xf32, #tpu.memory_space<vmem>>
      %dma_wait3A_400 = tpu.memref_squeeze %dma_wait3A_399 : memref<1x1x104x64xf32, #tpu.memory_space<vmem>> -> memref<104x64xf32, #tpu.memory_space<vmem>>
      %dma_wait3A_401 = arith.constant 0 : i32
      %dma_wait3A_402 = arith.constant 0 : i32
      %dma_wait3A_403 = tpu.memref_slice %arg4[%dma_wait3A_401, %dma_wait3A_402] : memref<819200x64xf32, #tpu.memory_space<hbm>> -> memref<104x64xf32, #tpu.memory_space<hbm>>
      %dma_wait3A_404 = arith.constant 0 : i32
      %dma_wait3A_405 = arith.constant 0 : i32
      %dma_wait3A_406 = tpu.memref_slice %arg4[%dma_wait3A_404, %dma_wait3A_405] : memref<819200x64xf32, #tpu.memory_space<hbm>> -> memref<104x64xf32, #tpu.memory_space<hbm>>
      %dma_wait3A_407 = arith.constant 0 : i32
      %dma_wait3A_408 = arith.constant 0 : i32
      %dma_wait3A_409 = tpu.memref_slice %arg7[%dma_wait3A_395, %dma_wait3A_396, %dma_wait3A_407, %dma_wait3A_408] : memref<2x4x104x64xf32, #tpu.memory_space<vmem>> -> memref<1x1x104x64xf32, #tpu.memory_space<vmem>>
      %dma_wait3A_410 = tpu.memref_squeeze %dma_wait3A_409 : memref<1x1x104x64xf32, #tpu.memory_space<vmem>> -> memref<104x64xf32, #tpu.memory_space<vmem>>
      tpu.wait_dma2 semaphore(%arg10 : memref<!tpu.dma_semaphore, #tpu.memory_space<semaphore_mem>>) src(%dma_wait3A_410 : memref<104x64xf32, #tpu.memory_space<vmem>>) dst(%dma_wait3A_406 : memref<104x64xf32, #tpu.memory_space<hbm>>)
      %dma_wait3A_411 = arith.constant 0 : i32
      %dma_wait3A_412 = arith.constant 3 : i32
      %dma_wait3A_413 = arith.constant 0 : i32
      %dma_wait3A_414 = arith.constant 0 : i32
      %dma_wait3A_415 = tpu.memref_slice %arg7[%dma_wait3A_411, %dma_wait3A_412, %dma_wait3A_413, %dma_wait3A_414] : memref<2x4x104x64xf32, #tpu.memory_space<vmem>> -> memref<1x1x96x64xf32, #tpu.memory_space<vmem>>
      %dma_wait3A_416 = tpu.memref_squeeze %dma_wait3A_415 : memref<1x1x96x64xf32, #tpu.memory_space<vmem>> -> memref<96x64xf32, #tpu.memory_space<vmem>>
      %dma_wait3A_417 = arith.constant 0 : i32
      %dma_wait3A_418 = arith.constant 0 : i32
      %dma_wait3A_419 = tpu.memref_slice %arg4[%dma_wait3A_417, %dma_wait3A_418] : memref<819200x64xf32, #tpu.memory_space<hbm>> -> memref<96x64xf32, #tpu.memory_space<hbm>>
      %dma_wait3A_420 = arith.constant 0 : i32
      %dma_wait3A_421 = arith.constant 0 : i32
      %dma_wait3A_422 = tpu.memref_slice %arg4[%dma_wait3A_420, %dma_wait3A_421] : memref<819200x64xf32, #tpu.memory_space<hbm>> -> memref<96x64xf32, #tpu.memory_space<hbm>>
      %dma_wait3A_423 = arith.constant 0 : i32
      %dma_wait3A_424 = arith.constant 0 : i32
      %dma_wait3A_425 = tpu.memref_slice %arg7[%dma_wait3A_411, %dma_wait3A_412, %dma_wait3A_423, %dma_wait3A_424] : memref<2x4x104x64xf32, #tpu.memory_space<vmem>> -> memref<1x1x96x64xf32, #tpu.memory_space<vmem>>
      %dma_wait3A_426 = tpu.memref_squeeze %dma_wait3A_425 : memref<1x1x96x64xf32, #tpu.memory_space<vmem>> -> memref<96x64xf32, #tpu.memory_space<vmem>>
      tpu.wait_dma2 semaphore(%arg10 : memref<!tpu.dma_semaphore, #tpu.memory_space<semaphore_mem>>) src(%dma_wait3A_426 : memref<96x64xf32, #tpu.memory_space<vmem>>) dst(%dma_wait3A_422 : memref<96x64xf32, #tpu.memory_space<hbm>>)
      %lt3A = arith.constant 31 : i32
      %lt3A_427 = arith.cmpi slt, %scan3A_134, %lt3A : i32
      %convert_element_type3A_428 = arith.extui %lt3A_427 : i1 to i32
      %cond3A_429 = arith.constant 0 : i32
      %cond3A_430 = arith.cmpi ne, %convert_element_type3A_428, %cond3A_429 : i32
      scf.if %cond3A_430 {
        %mul3A_591 = arith.constant 2 : i32
        %mul3A_592 = arith.muli %mul3A_591, %scan3A_134 : i32
        %add3A_593 = arith.constant 2 : i32
        %add3A_594 = arith.addi %mul3A_592, %add3A_593 : i32
        %mul3A_595 = arith.constant 2 : i32
        %mul3A_596 = arith.muli %mul3A_595, %add3A_594 : i32
        %add3A_597 = arith.constant 0 : i32
        %add3A_598 = arith.addi %mul3A_596, %add3A_597 : i32
        %dma_start3A_599 = arith.constant 0 : i32
        %dma_start3A_600 = arith.constant 0 : i32
        %dma_start3A_601 = arith.constant 0 : i32
        %dma_start3A_602 = arith.constant 0 : i32
        %dma_start3A_603 = tpu.memref_slice %arg7[%dma_start3A_599, %dma_start3A_600, %dma_start3A_601, %dma_start3A_602] : memref<2x4x104x64xf32, #tpu.memory_space<vmem>> -> memref<1x1x104x64xf32, #tpu.memory_space<vmem>>
        %dma_start3A_604 = tpu.memref_squeeze %dma_start3A_603 : memref<1x1x104x64xf32, #tpu.memory_space<vmem>> -> memref<104x64xf32, #tpu.memory_space<vmem>>
        %dma_start3A_605 = arith.constant 0 : i32
        %dma_start3A_606 = tpu.memref_slice %arg5[%add3A_598, %dma_start3A_605] : memref<128x104xi32, #tpu.memory_space<vmem>> -> memref<1x104xi32, #tpu.memory_space<vmem>>
        %dma_start3A_607 = tpu.memref_squeeze %dma_start3A_606 : memref<1x104xi32, #tpu.memory_space<vmem>> -> memref<104xi32, #tpu.memory_space<vmem>>
        %dma_start3A_608 = arith.constant 0 : i32
        %dma_start3A_609 = arith.constant 0 : i32
        %dma_start3A_610 = tpu.memref_slice %arg2[%dma_start3A_608, %dma_start3A_609] : memref<1000000x64xf32, #tpu.memory_space<hbm>> -> memref<1000000x64xf32, #tpu.memory_space<hbm>>
        tpu.enqueue_indirect_dma source(%dma_start3A_610 : memref<1000000x64xf32, #tpu.memory_space<hbm>>) target(%dma_start3A_604 : memref<104x64xf32, #tpu.memory_space<vmem>>) offsets(%dma_start3A_607 : memref<104xi32, #tpu.memory_space<vmem>>) semaphore(%arg8 : memref<!tpu.dma_semaphore, #tpu.memory_space<semaphore_mem>>)
        %mul3A_611 = arith.constant 2 : i32
        %mul3A_612 = arith.muli %mul3A_611, %add3A_594 : i32
        %add3A_613 = arith.constant 0 : i32
        %add3A_614 = arith.addi %mul3A_612, %add3A_613 : i32
        %dma_start3A_615 = arith.constant 0 : i32
        %dma_start3A_616 = arith.constant 1 : i32
        %dma_start3A_617 = arith.constant 0 : i32
        %dma_start3A_618 = arith.constant 0 : i32
        %dma_start3A_619 = tpu.memref_slice %arg7[%dma_start3A_615, %dma_start3A_616, %dma_start3A_617, %dma_start3A_618] : memref<2x4x104x64xf32, #tpu.memory_space<vmem>> -> memref<1x1x96x64xf32, #tpu.memory_space<vmem>>
        %dma_start3A_620 = tpu.memref_squeeze %dma_start3A_619 : memref<1x1x96x64xf32, #tpu.memory_space<vmem>> -> memref<96x64xf32, #tpu.memory_space<vmem>>
        %dma_start3A_621 = arith.constant 0 : i32
        %dma_start3A_622 = tpu.memref_slice %arg6[%add3A_614, %dma_start3A_621] : memref<128x96xi32, #tpu.memory_space<vmem>> -> memref<1x96xi32, #tpu.memory_space<vmem>>
        %dma_start3A_623 = tpu.memref_squeeze %dma_start3A_622 : memref<1x96xi32, #tpu.memory_space<vmem>> -> memref<96xi32, #tpu.memory_space<vmem>>
        %dma_start3A_624 = arith.constant 0 : i32
        %dma_start3A_625 = arith.constant 0 : i32
        %dma_start3A_626 = tpu.memref_slice %arg2[%dma_start3A_624, %dma_start3A_625] : memref<1000000x64xf32, #tpu.memory_space<hbm>> -> memref<1000000x64xf32, #tpu.memory_space<hbm>>
        tpu.enqueue_indirect_dma source(%dma_start3A_626 : memref<1000000x64xf32, #tpu.memory_space<hbm>>) target(%dma_start3A_620 : memref<96x64xf32, #tpu.memory_space<vmem>>) offsets(%dma_start3A_623 : memref<96xi32, #tpu.memory_space<vmem>>) semaphore(%arg8 : memref<!tpu.dma_semaphore, #tpu.memory_space<semaphore_mem>>)
        %mul3A_627 = arith.constant 2 : i32
        %mul3A_628 = arith.muli %mul3A_627, %add3A_594 : i32
        %add3A_629 = arith.constant 1 : i32
        %add3A_630 = arith.addi %mul3A_628, %add3A_629 : i32
        %dma_start3A_631 = arith.constant 0 : i32
        %dma_start3A_632 = arith.constant 2 : i32
        %dma_start3A_633 = arith.constant 0 : i32
        %dma_start3A_634 = arith.constant 0 : i32
        %dma_start3A_635 = tpu.memref_slice %arg7[%dma_start3A_631, %dma_start3A_632, %dma_start3A_633, %dma_start3A_634] : memref<2x4x104x64xf32, #tpu.memory_space<vmem>> -> memref<1x1x104x64xf32, #tpu.memory_space<vmem>>
        %dma_start3A_636 = tpu.memref_squeeze %dma_start3A_635 : memref<1x1x104x64xf32, #tpu.memory_space<vmem>> -> memref<104x64xf32, #tpu.memory_space<vmem>>
        %dma_start3A_637 = arith.constant 0 : i32
        %dma_start3A_638 = tpu.memref_slice %arg5[%add3A_630, %dma_start3A_637] : memref<128x104xi32, #tpu.memory_space<vmem>> -> memref<1x104xi32, #tpu.memory_space<vmem>>
        %dma_start3A_639 = tpu.memref_squeeze %dma_start3A_638 : memref<1x104xi32, #tpu.memory_space<vmem>> -> memref<104xi32, #tpu.memory_space<vmem>>
        %dma_start3A_640 = arith.constant 0 : i32
        %dma_start3A_641 = arith.constant 0 : i32
        %dma_start3A_642 = tpu.memref_slice %arg2[%dma_start3A_640, %dma_start3A_641] : memref<1000000x64xf32, #tpu.memory_space<hbm>> -> memref<1000000x64xf32, #tpu.memory_space<hbm>>
        tpu.enqueue_indirect_dma source(%dma_start3A_642 : memref<1000000x64xf32, #tpu.memory_space<hbm>>) target(%dma_start3A_636 : memref<104x64xf32, #tpu.memory_space<vmem>>) offsets(%dma_start3A_639 : memref<104xi32, #tpu.memory_space<vmem>>) semaphore(%arg8 : memref<!tpu.dma_semaphore, #tpu.memory_space<semaphore_mem>>)
        %mul3A_643 = arith.constant 2 : i32
        %mul3A_644 = arith.muli %mul3A_643, %add3A_594 : i32
        %add3A_645 = arith.constant 1 : i32
        %add3A_646 = arith.addi %mul3A_644, %add3A_645 : i32
        %dma_start3A_647 = arith.constant 0 : i32
        %dma_start3A_648 = arith.constant 3 : i32
        %dma_start3A_649 = arith.constant 0 : i32
        %dma_start3A_650 = arith.constant 0 : i32
        %dma_start3A_651 = tpu.memref_slice %arg7[%dma_start3A_647, %dma_start3A_648, %dma_start3A_649, %dma_start3A_650] : memref<2x4x104x64xf32, #tpu.memory_space<vmem>> -> memref<1x1x96x64xf32, #tpu.memory_space<vmem>>
        %dma_start3A_652 = tpu.memref_squeeze %dma_start3A_651 : memref<1x1x96x64xf32, #tpu.memory_space<vmem>> -> memref<96x64xf32, #tpu.memory_space<vmem>>
        %dma_start3A_653 = arith.constant 0 : i32
        %dma_start3A_654 = tpu.memref_slice %arg6[%add3A_646, %dma_start3A_653] : memref<128x96xi32, #tpu.memory_space<vmem>> -> memref<1x96xi32, #tpu.memory_space<vmem>>
        %dma_start3A_655 = tpu.memref_squeeze %dma_start3A_654 : memref<1x96xi32, #tpu.memory_space<vmem>> -> memref<96xi32, #tpu.memory_space<vmem>>
        %dma_start3A_656 = arith.constant 0 : i32
        %dma_start3A_657 = arith.constant 0 : i32
        %dma_start3A_658 = tpu.memref_slice %arg2[%dma_start3A_656, %dma_start3A_657] : memref<1000000x64xf32, #tpu.memory_space<hbm>> -> memref<1000000x64xf32, #tpu.memory_space<hbm>>
        tpu.enqueue_indirect_dma source(%dma_start3A_658 : memref<1000000x64xf32, #tpu.memory_space<hbm>>) target(%dma_start3A_652 : memref<96x64xf32, #tpu.memory_space<vmem>>) offsets(%dma_start3A_655 : memref<96xi32, #tpu.memory_space<vmem>>) semaphore(%arg8 : memref<!tpu.dma_semaphore, #tpu.memory_space<semaphore_mem>>)
      } else {
      }
      %dma_wait3A_431 = arith.constant 1 : i32
      %dma_wait3A_432 = arith.constant 0 : i32
      %dma_wait3A_433 = arith.constant 0 : i32
      %dma_wait3A_434 = arith.constant 0 : i32
      %dma_wait3A_435 = tpu.memref_slice %arg7[%dma_wait3A_431, %dma_wait3A_432, %dma_wait3A_433, %dma_wait3A_434] : memref<2x4x104x64xf32, #tpu.memory_space<vmem>> -> memref<1x1x104x64xf32, #tpu.memory_space<vmem>>
      %dma_wait3A_436 = tpu.memref_squeeze %dma_wait3A_435 : memref<1x1x104x64xf32, #tpu.memory_space<vmem>> -> memref<104x64xf32, #tpu.memory_space<vmem>>
      %dma_wait3A_437 = arith.constant 0 : i32
      %dma_wait3A_438 = arith.constant 0 : i32
      %dma_wait3A_439 = tpu.memref_slice %arg2[%dma_wait3A_437, %dma_wait3A_438] : memref<1000000x64xf32, #tpu.memory_space<hbm>> -> memref<104x64xf32, #tpu.memory_space<hbm>>
      %dma_wait3A_440 = arith.constant 0 : i32
      %dma_wait3A_441 = arith.constant 0 : i32
      %dma_wait3A_442 = tpu.memref_slice %arg7[%dma_wait3A_431, %dma_wait3A_432, %dma_wait3A_440, %dma_wait3A_441] : memref<2x4x104x64xf32, #tpu.memory_space<vmem>> -> memref<1x1x104x64xf32, #tpu.memory_space<vmem>>
      %dma_wait3A_443 = tpu.memref_squeeze %dma_wait3A_442 : memref<1x1x104x64xf32, #tpu.memory_space<vmem>> -> memref<104x64xf32, #tpu.memory_space<vmem>>
      %dma_wait3A_444 = arith.constant 0 : i32
      %dma_wait3A_445 = arith.constant 0 : i32
      %dma_wait3A_446 = tpu.memref_slice %arg2[%dma_wait3A_444, %dma_wait3A_445] : memref<1000000x64xf32, #tpu.memory_space<hbm>> -> memref<104x64xf32, #tpu.memory_space<hbm>>
      tpu.wait_dma2 semaphore(%arg9 : memref<!tpu.dma_semaphore, #tpu.memory_space<semaphore_mem>>) src(%dma_wait3A_446 : memref<104x64xf32, #tpu.memory_space<hbm>>) dst(%dma_wait3A_443 : memref<104x64xf32, #tpu.memory_space<vmem>>)
      %dma_wait3A_447 = arith.constant 1 : i32
      %dma_wait3A_448 = arith.constant 1 : i32
      %dma_wait3A_449 = arith.constant 0 : i32
      %dma_wait3A_450 = arith.constant 0 : i32
      %dma_wait3A_451 = tpu.memref_slice %arg7[%dma_wait3A_447, %dma_wait3A_448, %dma_wait3A_449, %dma_wait3A_450] : memref<2x4x104x64xf32, #tpu.memory_space<vmem>> -> memref<1x1x96x64xf32, #tpu.memory_space<vmem>>
      %dma_wait3A_452 = tpu.memref_squeeze %dma_wait3A_451 : memref<1x1x96x64xf32, #tpu.memory_space<vmem>> -> memref<96x64xf32, #tpu.memory_space<vmem>>
      %dma_wait3A_453 = arith.constant 0 : i32
      %dma_wait3A_454 = arith.constant 0 : i32
      %dma_wait3A_455 = tpu.memref_slice %arg2[%dma_wait3A_453, %dma_wait3A_454] : memref<1000000x64xf32, #tpu.memory_space<hbm>> -> memref<96x64xf32, #tpu.memory_space<hbm>>
      %dma_wait3A_456 = arith.constant 0 : i32
      %dma_wait3A_457 = arith.constant 0 : i32
      %dma_wait3A_458 = tpu.memref_slice %arg7[%dma_wait3A_447, %dma_wait3A_448, %dma_wait3A_456, %dma_wait3A_457] : memref<2x4x104x64xf32, #tpu.memory_space<vmem>> -> memref<1x1x96x64xf32, #tpu.memory_space<vmem>>
      %dma_wait3A_459 = tpu.memref_squeeze %dma_wait3A_458 : memref<1x1x96x64xf32, #tpu.memory_space<vmem>> -> memref<96x64xf32, #tpu.memory_space<vmem>>
      %dma_wait3A_460 = arith.constant 0 : i32
      %dma_wait3A_461 = arith.constant 0 : i32
      %dma_wait3A_462 = tpu.memref_slice %arg2[%dma_wait3A_460, %dma_wait3A_461] : memref<1000000x64xf32, #tpu.memory_space<hbm>> -> memref<96x64xf32, #tpu.memory_space<hbm>>
      tpu.wait_dma2 semaphore(%arg9 : memref<!tpu.dma_semaphore, #tpu.memory_space<semaphore_mem>>) src(%dma_wait3A_462 : memref<96x64xf32, #tpu.memory_space<hbm>>) dst(%dma_wait3A_459 : memref<96x64xf32, #tpu.memory_space<vmem>>)
      %dma_wait3A_463 = arith.constant 1 : i32
      %dma_wait3A_464 = arith.constant 2 : i32
      %dma_wait3A_465 = arith.constant 0 : i32
      %dma_wait3A_466 = arith.constant 0 : i32
      %dma_wait3A_467 = tpu.memref_slice %arg7[%dma_wait3A_463, %dma_wait3A_464, %dma_wait3A_465, %dma_wait3A_466] : memref<2x4x104x64xf32, #tpu.memory_space<vmem>> -> memref<1x1x104x64xf32, #tpu.memory_space<vmem>>
      %dma_wait3A_468 = tpu.memref_squeeze %dma_wait3A_467 : memref<1x1x104x64xf32, #tpu.memory_space<vmem>> -> memref<104x64xf32, #tpu.memory_space<vmem>>
      %dma_wait3A_469 = arith.constant 0 : i32
      %dma_wait3A_470 = arith.constant 0 : i32
      %dma_wait3A_471 = tpu.memref_slice %arg2[%dma_wait3A_469, %dma_wait3A_470] : memref<1000000x64xf32, #tpu.memory_space<hbm>> -> memref<104x64xf32, #tpu.memory_space<hbm>>
      %dma_wait3A_472 = arith.constant 0 : i32
      %dma_wait3A_473 = arith.constant 0 : i32
      %dma_wait3A_474 = tpu.memref_slice %arg7[%dma_wait3A_463, %dma_wait3A_464, %dma_wait3A_472, %dma_wait3A_473] : memref<2x4x104x64xf32, #tpu.memory_space<vmem>> -> memref<1x1x104x64xf32, #tpu.memory_space<vmem>>
      %dma_wait3A_475 = tpu.memref_squeeze %dma_wait3A_474 : memref<1x1x104x64xf32, #tpu.memory_space<vmem>> -> memref<104x64xf32, #tpu.memory_space<vmem>>
      %dma_wait3A_476 = arith.constant 0 : i32
      %dma_wait3A_477 = arith.constant 0 : i32
      %dma_wait3A_478 = tpu.memref_slice %arg2[%dma_wait3A_476, %dma_wait3A_477] : memref<1000000x64xf32, #tpu.memory_space<hbm>> -> memref<104x64xf32, #tpu.memory_space<hbm>>
      tpu.wait_dma2 semaphore(%arg9 : memref<!tpu.dma_semaphore, #tpu.memory_space<semaphore_mem>>) src(%dma_wait3A_478 : memref<104x64xf32, #tpu.memory_space<hbm>>) dst(%dma_wait3A_475 : memref<104x64xf32, #tpu.memory_space<vmem>>)
      %dma_wait3A_479 = arith.constant 1 : i32
      %dma_wait3A_480 = arith.constant 3 : i32
      %dma_wait3A_481 = arith.constant 0 : i32
      %dma_wait3A_482 = arith.constant 0 : i32
      %dma_wait3A_483 = tpu.memref_slice %arg7[%dma_wait3A_479, %dma_wait3A_480, %dma_wait3A_481, %dma_wait3A_482] : memref<2x4x104x64xf32, #tpu.memory_space<vmem>> -> memref<1x1x96x64xf32, #tpu.memory_space<vmem>>
      %dma_wait3A_484 = tpu.memref_squeeze %dma_wait3A_483 : memref<1x1x96x64xf32, #tpu.memory_space<vmem>> -> memref<96x64xf32, #tpu.memory_space<vmem>>
      %dma_wait3A_485 = arith.constant 0 : i32
      %dma_wait3A_486 = arith.constant 0 : i32
      %dma_wait3A_487 = tpu.memref_slice %arg2[%dma_wait3A_485, %dma_wait3A_486] : memref<1000000x64xf32, #tpu.memory_space<hbm>> -> memref<96x64xf32, #tpu.memory_space<hbm>>
      %dma_wait3A_488 = arith.constant 0 : i32
      %dma_wait3A_489 = arith.constant 0 : i32
      %dma_wait3A_490 = tpu.memref_slice %arg7[%dma_wait3A_479, %dma_wait3A_480, %dma_wait3A_488, %dma_wait3A_489] : memref<2x4x104x64xf32, #tpu.memory_space<vmem>> -> memref<1x1x96x64xf32, #tpu.memory_space<vmem>>
      %dma_wait3A_491 = tpu.memref_squeeze %dma_wait3A_490 : memref<1x1x96x64xf32, #tpu.memory_space<vmem>> -> memref<96x64xf32, #tpu.memory_space<vmem>>
      %dma_wait3A_492 = arith.constant 0 : i32
      %dma_wait3A_493 = arith.constant 0 : i32
      %dma_wait3A_494 = tpu.memref_slice %arg2[%dma_wait3A_492, %dma_wait3A_493] : memref<1000000x64xf32, #tpu.memory_space<hbm>> -> memref<96x64xf32, #tpu.memory_space<hbm>>
      tpu.wait_dma2 semaphore(%arg9 : memref<!tpu.dma_semaphore, #tpu.memory_space<semaphore_mem>>) src(%dma_wait3A_494 : memref<96x64xf32, #tpu.memory_space<hbm>>) dst(%dma_wait3A_491 : memref<96x64xf32, #tpu.memory_space<vmem>>)
      %mul3A_495 = arith.constant 2 : i32
      %mul3A_496 = arith.muli %mul3A_495, %scan3A_134 : i32
      %add3A_497 = arith.constant 1 : i32
      %add3A_498 = arith.addi %mul3A_496, %add3A_497 : i32
      %mul3A_499 = arith.constant 2 : i32
      %mul3A_500 = arith.muli %mul3A_499, %add3A_498 : i32
      %add3A_501 = arith.addi %mul3A_2, %mul3A_500 : i32
      %add3A_502 = arith.constant 0 : i32
      %add3A_503 = arith.addi %add3A_501, %add3A_502 : i32
      %mul3A_504 = arith.constant 200 : i32
      %mul3A_505 = arith.muli %add3A_503, %mul3A_504 : i32
      %add3A_506 = arith.constant 0 : i32
      %add3A_507 = arith.addi %mul3A_505, %add3A_506 : i32
      %dma_start3A_508 = arith.constant 1 : i32
      %dma_start3A_509 = arith.constant 0 : i32
      %dma_start3A_510 = arith.constant 0 : i32
      %dma_start3A_511 = arith.constant 0 : i32
      %dma_start3A_512 = tpu.memref_slice %arg7[%dma_start3A_508, %dma_start3A_509, %dma_start3A_510, %dma_start3A_511] : memref<2x4x104x64xf32, #tpu.memory_space<vmem>> -> memref<1x1x104x64xf32, #tpu.memory_space<vmem>>
      %dma_start3A_513 = tpu.memref_squeeze %dma_start3A_512 : memref<1x1x104x64xf32, #tpu.memory_space<vmem>> -> memref<104x64xf32, #tpu.memory_space<vmem>>
      %dma_start3A_514 = arith.constant 0 : i32
      %dma_start3A_515 = tpu.memref_slice %arg4[%add3A_507, %dma_start3A_514] : memref<819200x64xf32, #tpu.memory_space<hbm>> -> memref<104x64xf32, #tpu.memory_space<hbm>>
      %dma_start3A_516 = arith.constant 0 : i32
      %dma_start3A_517 = tpu.memref_slice %arg4[%add3A_507, %dma_start3A_516] : memref<819200x64xf32, #tpu.memory_space<hbm>> -> memref<104x64xf32, #tpu.memory_space<hbm>>
      %dma_start3A_518 = arith.constant 0 : i32
      %dma_start3A_519 = arith.constant 0 : i32
      %dma_start3A_520 = tpu.memref_slice %arg7[%dma_start3A_508, %dma_start3A_509, %dma_start3A_518, %dma_start3A_519] : memref<2x4x104x64xf32, #tpu.memory_space<vmem>> -> memref<1x1x104x64xf32, #tpu.memory_space<vmem>>
      %dma_start3A_521 = tpu.memref_squeeze %dma_start3A_520 : memref<1x1x104x64xf32, #tpu.memory_space<vmem>> -> memref<104x64xf32, #tpu.memory_space<vmem>>
      tpu.enqueue_dma source(%dma_start3A_521 : memref<104x64xf32, #tpu.memory_space<vmem>>) target(%dma_start3A_517 : memref<104x64xf32, #tpu.memory_space<hbm>>) target_semaphore(%arg11 : memref<!tpu.dma_semaphore, #tpu.memory_space<semaphore_mem>>)
      %mul3A_522 = arith.constant 2 : i32
      %mul3A_523 = arith.muli %mul3A_522, %add3A_498 : i32
      %add3A_524 = arith.addi %mul3A_2, %mul3A_523 : i32
      %add3A_525 = arith.constant 0 : i32
      %add3A_526 = arith.addi %add3A_524, %add3A_525 : i32
      %mul3A_527 = arith.constant 200 : i32
      %mul3A_528 = arith.muli %add3A_526, %mul3A_527 : i32
      %add3A_529 = arith.constant 104 : i32
      %add3A_530 = arith.addi %mul3A_528, %add3A_529 : i32
      %dma_start3A_531 = arith.constant 1 : i32
      %dma_start3A_532 = arith.constant 1 : i32
      %dma_start3A_533 = arith.constant 0 : i32
      %dma_start3A_534 = arith.constant 0 : i32
      %dma_start3A_535 = tpu.memref_slice %arg7[%dma_start3A_531, %dma_start3A_532, %dma_start3A_533, %dma_start3A_534] : memref<2x4x104x64xf32, #tpu.memory_space<vmem>> -> memref<1x1x96x64xf32, #tpu.memory_space<vmem>>
      %dma_start3A_536 = tpu.memref_squeeze %dma_start3A_535 : memref<1x1x96x64xf32, #tpu.memory_space<vmem>> -> memref<96x64xf32, #tpu.memory_space<vmem>>
      %dma_start3A_537 = arith.constant 0 : i32
      %dma_start3A_538 = tpu.memref_slice %arg4[%add3A_530, %dma_start3A_537] : memref<819200x64xf32, #tpu.memory_space<hbm>> -> memref<96x64xf32, #tpu.memory_space<hbm>>
      %dma_start3A_539 = arith.constant 0 : i32
      %dma_start3A_540 = tpu.memref_slice %arg4[%add3A_530, %dma_start3A_539] : memref<819200x64xf32, #tpu.memory_space<hbm>> -> memref<96x64xf32, #tpu.memory_space<hbm>>
      %dma_start3A_541 = arith.constant 0 : i32
      %dma_start3A_542 = arith.constant 0 : i32
      %dma_start3A_543 = tpu.memref_slice %arg7[%dma_start3A_531, %dma_start3A_532, %dma_start3A_541, %dma_start3A_542] : memref<2x4x104x64xf32, #tpu.memory_space<vmem>> -> memref<1x1x96x64xf32, #tpu.memory_space<vmem>>
      %dma_start3A_544 = tpu.memref_squeeze %dma_start3A_543 : memref<1x1x96x64xf32, #tpu.memory_space<vmem>> -> memref<96x64xf32, #tpu.memory_space<vmem>>
      tpu.enqueue_dma source(%dma_start3A_544 : memref<96x64xf32, #tpu.memory_space<vmem>>) target(%dma_start3A_540 : memref<96x64xf32, #tpu.memory_space<hbm>>) target_semaphore(%arg11 : memref<!tpu.dma_semaphore, #tpu.memory_space<semaphore_mem>>)
      %mul3A_545 = arith.constant 2 : i32
      %mul3A_546 = arith.muli %mul3A_545, %add3A_498 : i32
      %add3A_547 = arith.addi %mul3A_2, %mul3A_546 : i32
      %add3A_548 = arith.constant 1 : i32
      %add3A_549 = arith.addi %add3A_547, %add3A_548 : i32
      %mul3A_550 = arith.constant 200 : i32
      %mul3A_551 = arith.muli %add3A_549, %mul3A_550 : i32
      %add3A_552 = arith.constant 0 : i32
      %add3A_553 = arith.addi %mul3A_551, %add3A_552 : i32
      %dma_start3A_554 = arith.constant 1 : i32
      %dma_start3A_555 = arith.constant 2 : i32
      %dma_start3A_556 = arith.constant 0 : i32
      %dma_start3A_557 = arith.constant 0 : i32
      %dma_start3A_558 = tpu.memref_slice %arg7[%dma_start3A_554, %dma_start3A_555, %dma_start3A_556, %dma_start3A_557] : memref<2x4x104x64xf32, #tpu.memory_space<vmem>> -> memref<1x1x104x64xf32, #tpu.memory_space<vmem>>
      %dma_start3A_559 = tpu.memref_squeeze %dma_start3A_558 : memref<1x1x104x64xf32, #tpu.memory_space<vmem>> -> memref<104x64xf32, #tpu.memory_space<vmem>>
      %dma_start3A_560 = arith.constant 0 : i32
      %dma_start3A_561 = tpu.memref_slice %arg4[%add3A_553, %dma_start3A_560] : memref<819200x64xf32, #tpu.memory_space<hbm>> -> memref<104x64xf32, #tpu.memory_space<hbm>>
      %dma_start3A_562 = arith.constant 0 : i32
      %dma_start3A_563 = tpu.memref_slice %arg4[%add3A_553, %dma_start3A_562] : memref<819200x64xf32, #tpu.memory_space<hbm>> -> memref<104x64xf32, #tpu.memory_space<hbm>>
      %dma_start3A_564 = arith.constant 0 : i32
      %dma_start3A_565 = arith.constant 0 : i32
      %dma_start3A_566 = tpu.memref_slice %arg7[%dma_start3A_554, %dma_start3A_555, %dma_start3A_564, %dma_start3A_565] : memref<2x4x104x64xf32, #tpu.memory_space<vmem>> -> memref<1x1x104x64xf32, #tpu.memory_space<vmem>>
      %dma_start3A_567 = tpu.memref_squeeze %dma_start3A_566 : memref<1x1x104x64xf32, #tpu.memory_space<vmem>> -> memref<104x64xf32, #tpu.memory_space<vmem>>
      tpu.enqueue_dma source(%dma_start3A_567 : memref<104x64xf32, #tpu.memory_space<vmem>>) target(%dma_start3A_563 : memref<104x64xf32, #tpu.memory_space<hbm>>) target_semaphore(%arg11 : memref<!tpu.dma_semaphore, #tpu.memory_space<semaphore_mem>>)
      %mul3A_568 = arith.constant 2 : i32
      %mul3A_569 = arith.muli %mul3A_568, %add3A_498 : i32
      %add3A_570 = arith.addi %mul3A_2, %mul3A_569 : i32
      %add3A_571 = arith.constant 1 : i32
      %add3A_572 = arith.addi %add3A_570, %add3A_571 : i32
      %mul3A_573 = arith.constant 200 : i32
      %mul3A_574 = arith.muli %add3A_572, %mul3A_573 : i32
      %add3A_575 = arith.constant 104 : i32
      %add3A_576 = arith.addi %mul3A_574, %add3A_575 : i32
      %dma_start3A_577 = arith.constant 1 : i32
      %dma_start3A_578 = arith.constant 3 : i32
      %dma_start3A_579 = arith.constant 0 : i32
      %dma_start3A_580 = arith.constant 0 : i32
      %dma_start3A_581 = tpu.memref_slice %arg7[%dma_start3A_577, %dma_start3A_578, %dma_start3A_579, %dma_start3A_580] : memref<2x4x104x64xf32, #tpu.memory_space<vmem>> -> memref<1x1x96x64xf32, #tpu.memory_space<vmem>>
      %dma_start3A_582 = tpu.memref_squeeze %dma_start3A_581 : memref<1x1x96x64xf32, #tpu.memory_space<vmem>> -> memref<96x64xf32, #tpu.memory_space<vmem>>
      %dma_start3A_583 = arith.constant 0 : i32
      %dma_start3A_584 = tpu.memref_slice %arg4[%add3A_576, %dma_start3A_583] : memref<819200x64xf32, #tpu.memory_space<hbm>> -> memref<96x64xf32, #tpu.memory_space<hbm>>
      %dma_start3A_585 = arith.constant 0 : i32
      %dma_start3A_586 = tpu.memref_slice %arg4[%add3A_576, %dma_start3A_585] : memref<819200x64xf32, #tpu.memory_space<hbm>> -> memref<96x64xf32, #tpu.memory_space<hbm>>
      %dma_start3A_587 = arith.constant 0 : i32
      %dma_start3A_588 = arith.constant 0 : i32
      %dma_start3A_589 = tpu.memref_slice %arg7[%dma_start3A_577, %dma_start3A_578, %dma_start3A_587, %dma_start3A_588] : memref<2x4x104x64xf32, #tpu.memory_space<vmem>> -> memref<1x1x96x64xf32, #tpu.memory_space<vmem>>
      %dma_start3A_590 = tpu.memref_squeeze %dma_start3A_589 : memref<1x1x96x64xf32, #tpu.memory_space<vmem>> -> memref<96x64xf32, #tpu.memory_space<vmem>>
      tpu.enqueue_dma source(%dma_start3A_590 : memref<96x64xf32, #tpu.memory_space<vmem>>) target(%dma_start3A_586 : memref<96x64xf32, #tpu.memory_space<hbm>>) target_semaphore(%arg11 : memref<!tpu.dma_semaphore, #tpu.memory_space<semaphore_mem>>)
    }
    %scan3A_70 = arith.constant 32 : i32
    %dma_wait3A = arith.constant 1 : i32
    %dma_wait3A_71 = arith.constant 0 : i32
    %dma_wait3A_72 = arith.constant 0 : i32
    %dma_wait3A_73 = arith.constant 0 : i32
    %dma_wait3A_74 = tpu.memref_slice %arg7[%dma_wait3A, %dma_wait3A_71, %dma_wait3A_72, %dma_wait3A_73] : memref<2x4x104x64xf32, #tpu.memory_space<vmem>> -> memref<1x1x104x64xf32, #tpu.memory_space<vmem>>
    %dma_wait3A_75 = tpu.memref_squeeze %dma_wait3A_74 : memref<1x1x104x64xf32, #tpu.memory_space<vmem>> -> memref<104x64xf32, #tpu.memory_space<vmem>>
    %dma_wait3A_76 = arith.constant 0 : i32
    %dma_wait3A_77 = arith.constant 0 : i32
    %dma_wait3A_78 = tpu.memref_slice %arg4[%dma_wait3A_76, %dma_wait3A_77] : memref<819200x64xf32, #tpu.memory_space<hbm>> -> memref<104x64xf32, #tpu.memory_space<hbm>>
    %dma_wait3A_79 = arith.constant 0 : i32
    %dma_wait3A_80 = arith.constant 0 : i32
    %dma_wait3A_81 = tpu.memref_slice %arg4[%dma_wait3A_79, %dma_wait3A_80] : memref<819200x64xf32, #tpu.memory_space<hbm>> -> memref<104x64xf32, #tpu.memory_space<hbm>>
    %dma_wait3A_82 = arith.constant 0 : i32
    %dma_wait3A_83 = arith.constant 0 : i32
    %dma_wait3A_84 = tpu.memref_slice %arg7[%dma_wait3A, %dma_wait3A_71, %dma_wait3A_82, %dma_wait3A_83] : memref<2x4x104x64xf32, #tpu.memory_space<vmem>> -> memref<1x1x104x64xf32, #tpu.memory_space<vmem>>
    %dma_wait3A_85 = tpu.memref_squeeze %dma_wait3A_84 : memref<1x1x104x64xf32, #tpu.memory_space<vmem>> -> memref<104x64xf32, #tpu.memory_space<vmem>>
    tpu.wait_dma2 semaphore(%arg11 : memref<!tpu.dma_semaphore, #tpu.memory_space<semaphore_mem>>) src(%dma_wait3A_85 : memref<104x64xf32, #tpu.memory_space<vmem>>) dst(%dma_wait3A_81 : memref<104x64xf32, #tpu.memory_space<hbm>>)
    %dma_wait3A_86 = arith.constant 1 : i32
    %dma_wait3A_87 = arith.constant 1 : i32
    %dma_wait3A_88 = arith.constant 0 : i32
    %dma_wait3A_89 = arith.constant 0 : i32
    %dma_wait3A_90 = tpu.memref_slice %arg7[%dma_wait3A_86, %dma_wait3A_87, %dma_wait3A_88, %dma_wait3A_89] : memref<2x4x104x64xf32, #tpu.memory_space<vmem>> -> memref<1x1x96x64xf32, #tpu.memory_space<vmem>>
    %dma_wait3A_91 = tpu.memref_squeeze %dma_wait3A_90 : memref<1x1x96x64xf32, #tpu.memory_space<vmem>> -> memref<96x64xf32, #tpu.memory_space<vmem>>
    %dma_wait3A_92 = arith.constant 0 : i32
    %dma_wait3A_93 = arith.constant 0 : i32
    %dma_wait3A_94 = tpu.memref_slice %arg4[%dma_wait3A_92, %dma_wait3A_93] : memref<819200x64xf32, #tpu.memory_space<hbm>> -> memref<96x64xf32, #tpu.memory_space<hbm>>
    %dma_wait3A_95 = arith.constant 0 : i32
    %dma_wait3A_96 = arith.constant 0 : i32
    %dma_wait3A_97 = tpu.memref_slice %arg4[%dma_wait3A_95, %dma_wait3A_96] : memref<819200x64xf32, #tpu.memory_space<hbm>> -> memref<96x64xf32, #tpu.memory_space<hbm>>
    %dma_wait3A_98 = arith.constant 0 : i32
    %dma_wait3A_99 = arith.constant 0 : i32
    %dma_wait3A_100 = tpu.memref_slice %arg7[%dma_wait3A_86, %dma_wait3A_87, %dma_wait3A_98, %dma_wait3A_99] : memref<2x4x104x64xf32, #tpu.memory_space<vmem>> -> memref<1x1x96x64xf32, #tpu.memory_space<vmem>>
    %dma_wait3A_101 = tpu.memref_squeeze %dma_wait3A_100 : memref<1x1x96x64xf32, #tpu.memory_space<vmem>> -> memref<96x64xf32, #tpu.memory_space<vmem>>
    tpu.wait_dma2 semaphore(%arg11 : memref<!tpu.dma_semaphore, #tpu.memory_space<semaphore_mem>>) src(%dma_wait3A_101 : memref<96x64xf32, #tpu.memory_space<vmem>>) dst(%dma_wait3A_97 : memref<96x64xf32, #tpu.memory_space<hbm>>)
    %dma_wait3A_102 = arith.constant 1 : i32
    %dma_wait3A_103 = arith.constant 2 : i32
    %dma_wait3A_104 = arith.constant 0 : i32
    %dma_wait3A_105 = arith.constant 0 : i32
    %dma_wait3A_106 = tpu.memref_slice %arg7[%dma_wait3A_102, %dma_wait3A_103, %dma_wait3A_104, %dma_wait3A_105] : memref<2x4x104x64xf32, #tpu.memory_space<vmem>> -> memref<1x1x104x64xf32, #tpu.memory_space<vmem>>
    %dma_wait3A_107 = tpu.memref_squeeze %dma_wait3A_106 : memref<1x1x104x64xf32, #tpu.memory_space<vmem>> -> memref<104x64xf32, #tpu.memory_space<vmem>>
    %dma_wait3A_108 = arith.constant 0 : i32
    %dma_wait3A_109 = arith.constant 0 : i32
    %dma_wait3A_110 = tpu.memref_slice %arg4[%dma_wait3A_108, %dma_wait3A_109] : memref<819200x64xf32, #tpu.memory_space<hbm>> -> memref<104x64xf32, #tpu.memory_space<hbm>>
    %dma_wait3A_111 = arith.constant 0 : i32
    %dma_wait3A_112 = arith.constant 0 : i32
    %dma_wait3A_113 = tpu.memref_slice %arg4[%dma_wait3A_111, %dma_wait3A_112] : memref<819200x64xf32, #tpu.memory_space<hbm>> -> memref<104x64xf32, #tpu.memory_space<hbm>>
    %dma_wait3A_114 = arith.constant 0 : i32
    %dma_wait3A_115 = arith.constant 0 : i32
    %dma_wait3A_116 = tpu.memref_slice %arg7[%dma_wait3A_102, %dma_wait3A_103, %dma_wait3A_114, %dma_wait3A_115] : memref<2x4x104x64xf32, #tpu.memory_space<vmem>> -> memref<1x1x104x64xf32, #tpu.memory_space<vmem>>
    %dma_wait3A_117 = tpu.memref_squeeze %dma_wait3A_116 : memref<1x1x104x64xf32, #tpu.memory_space<vmem>> -> memref<104x64xf32, #tpu.memory_space<vmem>>
    tpu.wait_dma2 semaphore(%arg11 : memref<!tpu.dma_semaphore, #tpu.memory_space<semaphore_mem>>) src(%dma_wait3A_117 : memref<104x64xf32, #tpu.memory_space<vmem>>) dst(%dma_wait3A_113 : memref<104x64xf32, #tpu.memory_space<hbm>>)
    %dma_wait3A_118 = arith.constant 1 : i32
    %dma_wait3A_119 = arith.constant 3 : i32
    %dma_wait3A_120 = arith.constant 0 : i32
    %dma_wait3A_121 = arith.constant 0 : i32
    %dma_wait3A_122 = tpu.memref_slice %arg7[%dma_wait3A_118, %dma_wait3A_119, %dma_wait3A_120, %dma_wait3A_121] : memref<2x4x104x64xf32, #tpu.memory_space<vmem>> -> memref<1x1x96x64xf32, #tpu.memory_space<vmem>>
    %dma_wait3A_123 = tpu.memref_squeeze %dma_wait3A_122 : memref<1x1x96x64xf32, #tpu.memory_space<vmem>> -> memref<96x64xf32, #tpu.memory_space<vmem>>
    %dma_wait3A_124 = arith.constant 0 : i32
    %dma_wait3A_125 = arith.constant 0 : i32
    %dma_wait3A_126 = tpu.memref_slice %arg4[%dma_wait3A_124, %dma_wait3A_125] : memref<819200x64xf32, #tpu.memory_space<hbm>> -> memref<96x64xf32, #tpu.memory_space<hbm>>
    %dma_wait3A_127 = arith.constant 0 : i32
    %dma_wait3A_128 = arith.constant 0 : i32
    %dma_wait3A_129 = tpu.memref_slice %arg4[%dma_wait3A_127, %dma_wait3A_128] : memref<819200x64xf32, #tpu.memory_space<hbm>> -> memref<96x64xf32, #tpu.memory_space<hbm>>
    %dma_wait3A_130 = arith.constant 0 : i32
    %dma_wait3A_131 = arith.constant 0 : i32
    %dma_wait3A_132 = tpu.memref_slice %arg7[%dma_wait3A_118, %dma_wait3A_119, %dma_wait3A_130, %dma_wait3A_131] : memref<2x4x104x64xf32, #tpu.memory_space<vmem>> -> memref<1x1x96x64xf32, #tpu.memory_space<vmem>>
    %dma_wait3A_133 = tpu.memref_squeeze %dma_wait3A_132 : memref<1x1x96x64xf32, #tpu.memory_space<vmem>> -> memref<96x64xf32, #tpu.memory_space<vmem>>
    tpu.wait_dma2 semaphore(%arg11 : memref<!tpu.dma_semaphore, #tpu.memory_space<semaphore_mem>>) src(%dma_wait3A_133 : memref<96x64xf32, #tpu.memory_space<vmem>>) dst(%dma_wait3A_129 : memref<96x64xf32, #tpu.memory_space<hbm>>)
    return
  }
}

</mosaic_0001>

<sc_bundles>
// kernel: kernel.3.cloned.1.call-start
scs
__scs_entry_jumppad:
0x0: {  	(pc) =	sbr.rel $0x88, $3  }
0x1: {  	(tag) =	ssettag $0x0;
	lr =	simm.s32 $0x1  }
0x2: {  	[smem:$0x3F9F] =	sst lr;
	_ =	strace $0xD0000000  }
0x3: {  	_ = 	snop  }
0x4: {  	_ = 	snop  }
0x5: {  	_ = 	snop  }
0x6: {  	_ = 	snop  }
0x7: {  	_ = 	snop  }
__scs_overlays_trampoline_lowered:
0x8: {  	[smem:$0x3FAE] =	sst s0  }
0x9: {  	[smem:$0x3FAF] =	sst s1  }
0xa: {  	[smem:$0x3FB0] =	sst s2  }
0xb: {  	[smem:$0x3FB1] =	sst s3  }
0xc: {  	[smem:$0x3FB2] =	sst s4  }
0xd: {  	[smem:$0x3FB3] =	sst s5  }
0xe: {  	[smem:$0x3FB4] =	sst s6  }
0xf: {  	[smem:$0x3FB5] =	sst s7  }
0x10: {  	[smem:$0x3FB6] =	sst s8  }
0x11: {  	[smem:$0x3FB7] =	sst s9;
	s0 =	simm.s32 @!p0 $0x0  }
0x12: {  	s1 =	sld [smem:$0x3F9D];
	s0 =	simm.s32 @p0 $0x1  }
0x13: {  	[smem:$0x3FB8] =	sst s0;
	s0 =	simm.s32 @!p1 $0x0  }
0x14: {  	s2 =	sld [smem:$0x3F9C];
	s0 =	simm.s32 @p1 $0x1  }
0x15: {  	[smem:$0x3FB9] =	sst s0;
	s0 =	simm.s32 @!p2 $0x0  }
0x16: {  	s3 =	sld [smem:$0x3FDB];
	s0 =	simm.s32 @p2 $0x1  }
0x17: {  	s4 =	simm.s32 $0x1BF5;
	[smem:$0x3FBB] =	sst s0  }
0x18: {  	s0 =	sld [smem:$0x3F9E];
	_ =	swait.ge [sflag:s4], $0x0  }
0x19: {  	s7 =	sld [smem:$0x3F9F]  }
0x1a: {  	s8 =	sadd.s32 $0xFFFFE003, lr  }
0x1b: {  	s9 =	sadd.s32 $0xFFFFFEF7, lr;
	s5 =	simm.s32 $0xFFFFFFFF;
	p2 =	slt.u32 s8, $0xFFFFF086  }
0x1c: {  	p1 =	slt.u32 s9, $0xF7A;
	s5 =	simm.s32 @!p2 $0x0  }
0x1d: {  	s5 =	simm.s32 @p1 $0x1;
	p0 =	seq.s32 s7, s2  }
0x1e: {  	s7 =	smul.u32 @!p0 $0xF7A, s2;
	p2 =	seq.s32 @!p0 s5, $0x0  }
0x1f: {  	s9 =	smul.u32 $0xF7A, s1;
	s8 =	simm.s32 @!p0 $0x1BF5;
	p2 =	por !p2, p0  }
0x20: {  	[sflag:s8] =	ssyncset.s32 @!p0 $0xFFFFF086;
	s6 =	sadd.s32 @!p0 s3, s7;
	s7 =	simm.s32 @!p0 $0x108  }
0x21: {  	s3 =	sadd.s32 s3, s9;
	s6 =	sadd.s32 @!p0 $0x88, s6;
	s7 =	simm.s32 @p2 $0x1082  }
0x22: {  	[simem:s7], [sflag:s8] =	dma.local @!p0 [hbm:s6], $0xF7A  }
0x23: {  	s9 =	sor.u32 $0xD0000000, s2;
	s6 =	simm.s32 $0x108;
	_ =	swait.ge @!p0 [sflag:s8], $0x0  }
0x24: {  	s3 =	sadd.s32 $0x88, s3;
	s6 =	simm.s32 @!p1 $0x1082;
	[sflag:s4] =	ssyncset.s32 $0xFFFFF086  }
0x25: {  	[simem:s6], [sflag:s4] =	dma.local [hbm:s3], $0xF7A  }
0x26: {  	[smem:$0x3F9F] =	sst s1;
	(tag) =	ssettag s2;
	_ =	strace s9  }
0x27: {  	s1 =	sld [smem:$0x3FAF]  }
0x28: {  	s2 =	sld [smem:$0x3FB0]  }
0x29: {  	s4 =	sld [smem:$0x3FB2]  }
0x2a: {  	p0 =	seq.s32 s5, $0x0;
	s5 =	sld [smem:$0x3FB3]  }
0x2b: {  	s6 =	sld [smem:$0x3FB4]  }
0x2c: {  	s7 =	sld [smem:$0x3FB5]  }
0x2d: {  	s3 =	simm.s32 $0x108;
	s8 =	sld [smem:$0x3FB6]  }
0x2e: {  	s3 =	simm.s32 @!p0 $0x1082;
	s9 =	sld [smem:$0x3FB7]  }
0x2f: {  	lr =	sadd.s32 s0, s3;
	s0 =	sld [smem:$0x3FAE]  }
0x30: {  	s3 =	sld [smem:$0x3FB1]  }
0x31: {  	[smem:$0x3FBA] =	sst s10  }
0x32: {  	s10 =	sld [smem:$0x3FB8];
	_ =	sdelay $0x3  }
0x33: {  	p0 =	seq.s32 s10, $0x1;
	s10 =	sld [smem:$0x3FBA];
	_ =	sdelay $0x3  }
0x34: {  	[smem:$0x3FBA] =	sst s10  }
0x35: {  	s10 =	sld [smem:$0x3FB9];
	_ =	sdelay $0x3  }
0x36: {  	p1 =	seq.s32 s10, $0x1;
	s10 =	sld [smem:$0x3FBA];
	_ =	sdelay $0x3  }
0x37: {  	[smem:$0x3FBA] =	sst s10  }
0x38: {  	s10 =	sld [smem:$0x3FBB]  }
0x39: {  	_ = 	snop;
	(pc) =	sbr.ind lr, $3  }
0x3a: {  	_ = 	snop  }
0x3b: {  	_ = 	snop  }
0x3c: {  	p2 =	seq.s32 s10, $0x1;
	s10 =	sld [smem:$0x3FBA]  }
0x3d: {  	_ =	shalt  }
0x3e: {  	_ =	shalt  }
0x3f: {  	_ =	shalt  }
0x40: {  	_ =	shalt  }
0x41: {  	_ =	shalt  }
0x42: {  	_ =	shalt  }
0x43: {  	_ =	shalt  }
0x44: {  	_ =	shalt  }
0x45: {  	_ =	shalt  }
0x46: {  	_ =	shalt  }
0x47: {  	_ =	shalt  }
0x48: {  	_ =	shalt  }
0x49: {  	_ =	shalt  }
0x4a: {  	_ =	shalt  }
0x4b: {  	_ =	shalt  }
0x4c: {  	_ =	shalt  }
0x4d: {  	_ =	shalt  }
0x4e: {  	_ =	shalt  }
0x4f: {  	_ =	shalt  }
0x50: {  	_ =	shalt  }
0x51: {  	_ =	shalt  }
0x52: {  	_ =	shalt  }
0x53: {  	_ =	shalt  }
0x54: {  	_ =	shalt  }
0x55: {  	_ =	shalt  }
0x56: {  	_ =	shalt  }
0x57: {  	_ =	shalt  }
0x58: {  	_ =	shalt  }
0x59: {  	_ =	shalt  }
0x5a: {  	_ =	shalt  }
0x5b: {  	_ =	shalt  }
0x5c: {  	_ =	shalt  }
0x5d: {  	_ =	shalt  }
0x5e: {  	_ =	shalt  }
0x5f: {  	_ =	shalt  }
0x60: {  	_ =	shalt  }
0x61: {  	_ =	shalt  }
0x62: {  	_ =	shalt  }
0x63: {  	_ =	shalt  }
0x64: {  	_ =	shalt  }
0x65: {  	_ =	shalt  }
0x66: {  	_ =	shalt  }
0x67: {  	_ =	shalt  }
0x68: {  	_ =	shalt  }
0x69: {  	_ =	shalt  }
0x6a: {  	_ =	shalt  }
0x6b: {  	_ =	shalt  }
0x6c: {  	_ =	shalt  }
0x6d: {  	_ =	shalt  }
0x6e: {  	_ =	shalt  }
0x6f: {  	_ =	shalt  }
0x70: {  	_ =	shalt  }
0x71: {  	_ =	shalt  }
0x72: {  	_ =	shalt  }
0x73: {  	_ =	shalt  }
0x74: {  	_ =	shalt  }
0x75: {  	_ =	shalt  }
0x76: {  	_ =	shalt  }
0x77: {  	_ =	shalt  }
0x78: {  	_ =	shalt  }
0x79: {  	_ =	shalt  }
0x7a: {  	_ =	shalt  }
0x7b: {  	_ =	shalt  }
0x7c: {  	_ =	shalt  }
0x7d: {  	_ =	shalt  }
0x7e: {  	_ =	shalt  }
0x7f: {  	_ =	shalt  }
0x80: {  	_ =	shalt  }
0x81: {  	_ =	shalt  }
0x82: {  	_ =	shalt  }
0x83: {  	_ =	shalt  }
0x84: {  	_ =	shalt  }
0x85: {  	_ =	shalt  }
0x86: {  	_ =	shalt  }
0x87: {  	_ =	shalt  }
.Lfunc_end0:
.L_simem_size_0:
called_computation.1_lowered:
.L_overlay_start_0:
0x88: {  	s2 =	sld [smem:$0x3FD9]  }
0x89: {  	s3 =	sld [smem:$0x3FFE];
	_ =	sdelay $0x1  }
0x8a: {  	s1 =	srdreg.scid  }
0x8b: {  	s0 =	sand.u32 $0x1, s1  }
0x8c: {  	s17 =	sshll.u32 s0, $0xA;
	s2 =	sadd.s32 s3, s2  }
0x8d: {  	s2 =	sadd.s32 s2, s17  }
0x8e: {  	[smem:$0x3FC6] =	sst s2  }
0x8f: {  	_ = 	snop  }
0x90: {  	s2 =	sld [smem:$0x3FD0];
	(tm) =	ssettm $0x1  }
0x91: {  	s18 =	sld [smem:$0x3FFB];
	_ =	sdelay $0x3  }
0x92: {  	_ =	strace s18  }
0x93: {  	s3 =	sld [smem:$0x3FFC];
	_ =	sdelay $0x3  }
0x94: {  	_ =	strace s3  }
0x95: {  	s3 =	sld [smem:$0x3FFD];
	_ =	sdelay $0x3  }
0x96: {  	_ =	strace s3  }
0x97: {  	_ =	strace $0x8FFFFFFF  }
0x98: {  	s19 =	sld [smem:$0x3FDB];
	_ =	sdelay $0x1  }
0x99: {  	s4 =	simm.s32 $_scs_section_size  }
0x9a: {  	s5 =	simm.s32 $_size__tile_overlayer_lowered;
	s6 =	simm.s32 $_tile_overlayer_lowered  }
0x9b: {  	s22 =	simm.s32 $0x1BFF;
	s21 =	sshll.u32 s6, $0x1;
	s3 =	sadd.s32 s4, s19  }
0x9c: {  	s7 =	simm.s32 $0x0;
	s20 =	sshll.u32 s5, $0x1;
	s5 =	sadd.s32 s21, s3  }
0x9d: {  	[timem:s7], [sflag:s22] =	dma.local [hbm:s5], s20  }
0x9e: {  	_ =	swait.ge [sflag:s22], s20  }
0x9f: {  	s4 =	ssub.s32 $0x0, s20;
	[sflag:s22] =	ssyncset.done $0x0  }
0xa0: {  	[sflag:s22] =	ssyncadd.s32 s4;
	_ =	sdelay $0x1  }
0xa1: {  	s23 =	simm.s32 $0x1B8B  }
0xa2: {  	_ =	swait.ge [sflag:s23], $0x1  }
0xa3: {  	[sflag:s23] =	ssyncset.done $0x0  }
0xa4: {  	s25 =	simm.s32 $0x1B8E;
	s24 =	sld [smem:$0x3FFE];
	[sflag:s23] =	ssyncadd.s32 $0xFFFFFFFF  }
0xa5: {  	s26 =	simm.s32 $execute0_lowered;
	[smem:$0x3FD2] =	sst s25  }
0xa6: {  	s5 =	sshll.u32 s26, $0x1;
	_ =	strace $0x80000046;
	[dreg:$0x1] =	wrdreg $0xFFFFFFFF  }
0xa7: {  	s28 =	simm.s32 $_size_execute0_lowered;
	s3 =	sadd.s32 s3, s5;
	[dreg:$0x0] =	wrdreg $0x0  }
0xa8: {  	s5 =	sshll.u32 s28, $0x1;
	[dreg:$0x2] =	wrdreg s3  }
0xa9: {  	[dreg:$0x3] =	wrdreg s5  }
0xaa: {  	[dreg:$0x4] =	wrdreg $0xC0  }
0xab: {  	_ =	task [dreg:s7], $0x5FFFF  }
0xac: {  	[dreg:$0x1] =	wrdreg $0xFFFFFFFF  }
0xad: {  	[dreg:$0x0] =	wrdreg $0x60  }
0xae: {  	[dreg:$0x2] =	wrdreg s24  }
0xaf: {  	[dreg:$0x3] =	wrdreg s2  }
0xb0: {  	[dreg:$0x4] =	wrdreg $0x9  }
0xb1: {  	_ =	task.clear_ibuf [dreg:s7], $0x5FFFF;
	_ =	strace $0x90000046  }
0xb2: {  	s29 =	simm.s32 $0x9;
	_ =	strace $0x80000048  }
0xb3: {  	_ =	swait.ge [sflag:s29], $0x1  }
0xb4: {  	[sflag:s29] =	ssyncadd.s32 $0xFFFFFFFF  }
0xb5: {  	_ =	strace $0x90000048  }
0xb6: {  	_ =	sfence  }
0xb7: {  	s30 =	sld [smem:$0x0];
	_ =	sdelay $0x2  }
0xb8: {  	s31 =	sshll.u32 s1, $0xD;
	s1 =	sshrl.u32 s1, $0x2  }
0xb9: {  	s3 =	sand.u32 $0x4000, s31;
	s1 =	sadd.s32 s1, s30  }
0xba: {  	s0 =	sor.u32 s3, s0;
	s1 =	sshll.u32 s1, $0x11  }
0xbb: {  	s0 =	sor.u32 s1, s0  }
0xbc: {  	s0 =	sadd.s32 $0x8F2B, s0  }
0xbd: {  	[sflag:s0] =	ssyncadd.remote.s32 $0x1  }
0xbe: {  	_ =	sfence.sel $0xFFFF  }
0xbf: {  	[dreg:$0x0] =	wrdreg $0xFFFFFFFF;
	(pc) =	sbr.abs _section_cstart, $3  }
0xc0: {  	[dreg:$0x1] =	wrdreg $0xFFFFFFFF  }
0xc1: {  	_ =	task.clear_ibuf [dreg:s7], $0x2FFFF;
	_ =	strace $0x9FFFFFFF  }
0xc2: {  	(tm) =	ssettm $0x7FFFFFFF  }
0xc3: {  	_ =	shalt  }
tec
execute0_lowered:
.L_overlay_start_1:
0x0: {  	(tag) =	ssettag $0x1  }
0x1: {  	s4 =	rddreg [dreg:$0x0]  }
0x2: {  	s5 =	rddreg [dreg:$0x1]  }
0x3: {  	s2 =	simm.s32 $0x0;
	s0 =	stileid.u32;
	s3 =	srdreg.scid  }
0x4: {  	s14 =	simm.s32 $0xB200;
	s15 =	simm.s32 $0xCC00;
	s16 =	simm.s32 $0xE600  }
0x5: {  	s17 =	simm.s32 $0x10000;
	s18 =	simm.s32 $0x11A00;
	s19 =	simm.s32 $0x1  }
0x6: {  	s20 =	simm.s32 $0x3;
	s21 =	simm.s32 $0x2;
	s22 =	simm.s32 $0x4  }
0x7: {  	[smem:$0x7FF] =	sst s2;
	s6 =	sand.u32 $0x1, s3;
	s7 =	smul.u32 $0x320000, s0  }
0x8: {  	s3 =	sadd.s32 $0xF42E00, s4;
	s8 =	sshll.u32 s0, $0xD;
	s10 =	smul.u32 $0x64000, s0  }
0x9: {  	s0 =	simm.s32 $0x3400;
	_ =	strace $0x80000047;
	s9 =	smul.u32 $0x190000, s6  }
0xa: {  	s4 =	sadd.s32 s8, s4;
	s23 =	ssub.s32 $0x2, s6;
	s12 =	smul.u32 $0x32000, s6  }
0xb: {  	s6 =	sshll.u32 s6, $0xC;
	s11 =	sshrl.u32 s23, $0x1;
	s24 =	sadd.s32 s10, s5  }
0xc: {  	s6 =	sadd.s32 s6, s4;
	s7 =	sadd.s32 s9, s7;
	s8 =	ssub.s32 s23, s11  }
0xd: {  	s9 =	sadd.s32 s12, s24;
	s11 =	simm.s32 $0x7E00;
	s12 =	simm.s32 $0x9800  }
0xe: {  	s23 =	simm.s32 $0x0;
	s25 =	sor.u32 $0x4C00, s7;
	[dreg:$0x3] =	wrdreg s9  }
0xf: {  	s28 =	sor.u32 $0x1A00, s7;
	s30 =	sor.u32 $0xB000, s7;
	s7 =	sor.u32 $0x7E00, s7  }
0x10: {  	s4 =	smax.u32 s8, $0x1;
	s8 =	simm.s32 $0x6400;
	s10 =	sshrl.u32 s25, $0x3  }
0x11: {  	s29 =	sshrl.u32 s28, $0x3;
	s7 =	sshrl.u32 s7, $0x3;
	s26 =	sadd.s32 s10, s5  }
0x12: {  	s9 =	sadd.s32 s29, s5;
	s10 =	sshrl.u32 s30, $0x3;
	[dreg:$0x4] =	wrdreg s26  }
0x13: {  	s7 =	sadd.s32 s7, s5;
	[dreg:$0x5] =	wrdreg s9;
	s31 =	sadd.s32 s10, s5  }
0x14: {  	s5 =	sadd.s32 $0xA0D, s6;
	[dreg:$0x7] =	wrdreg s7;
	s6 =	simm.s32 $0x5  }
0x15: {  	s7 =	simm.s32 $0x68;
	s9 =	simm.s32 $0x60;
	[dreg:$0x6] =	wrdreg s31  }
.LBB2_1:
0x16: {  	s24 =	simm.s32 $0x0;
	s25 =	sadd.s32 $0xFFFFFFF3, s5  }
0x17: {  	[tilespmem:s24], [sflag:$0x5] =	stream.linear.gather [hbm4b:s25+s2], $0x68, $0x38;
	[tilespmem:$0x13400] =	vst v63  }
0x18: {  	s26 =	simm.s32 $0x3400;
	s24 =	simm.s32 $0x1A0;
	s25 =	smov.u32 s5  }
0x19: {  	[tilespmem:s0], [sflag:$0x5] =	stream.linear.gather [hbm4b:s5+s2], $0x60, $0x38;
	[tilespmem:$0x13400] =	vst v63  }
.LBB2_2:
0x1a: {  	p0 =	sne.s32 s24, $0xCE60  }
.Ltmp0:
0x1b: {  	s28 =	sshra.s32 s24, $0x2;
	s25 =	sadd.s32 $0x20, s25;
	(pc) =	sbr.rel @p0 .LBB2_2-.Ltmp0, $4  }
0x1c: {  	s24 =	sadd.s32 $0x1A0, s24;
	s29 =	sadd.s32 $0xFFFFFFF3, s25  }
0x1d: {  	[tilespmem:s28], [sflag:$0x5] =	stream.linear.gather [hbm4b:s29+s2], $0x68, $0x38;
	[tilespmem:$0x13400] =	vst v63  }
0x1e: {  	s26 =	sadd.s32 $0x60, s26  }
0x1f: {  	[tilespmem:s26], [sflag:$0x5] =	stream.linear.gather [hbm4b:s25+s2], $0x60, $0x38;
	[tilespmem:$0x13400] =	vst v63  }
0x20: {  	_ =	swait.ge [sflag:s6], $0x68  }
0x21: {  	[sflag:s6] =	ssyncset.done $0x0  }
0x22: {  	[sflag:s6] =	ssyncadd.s32 $0xFFFFFF98  }
0x23: {  	_ =	swait.ge [sflag:s6], $0x60  }
0x24: {  	s24 =	simm.s32 $0x7F;
	[sflag:s6] =	ssyncset.done $0x0  }
.LBB2_4:
0x25: {  	p0 =	sne.s32 s24, $0x1;
	s24 =	sadd.s32 $0xFFFFFFFF, s24;
	[sflag:s6] =	ssyncadd.s32 $0xFFFFFFA0  }
.Ltmp1:
0x26: {  	_ =	swait.ge [sflag:s6], $0x68;
	(pc) =	sbr.rel @p0 .LBB2_4-.Ltmp1, $4  }
0x27: {  	[sflag:s6] =	ssyncset.done $0x0  }
0x28: {  	[sflag:s6] =	ssyncadd.s32 $0xFFFFFF98  }
0x29: {  	_ =	swait.ge [sflag:s6], $0x60  }
0x2a: {  	[sflag:s6] =	ssyncset.done $0x0  }
0x2b: {  	[sflag:s6] =	ssyncadd.s32 $0xFFFFFFA0;
	s24 =	simm.s32 $0x0  }
0x2c: {  	[tilespmem:s8], [sflag:$0x1] =	stream.indirect.gather [hbm4b:s3+s7], $0x40, s24, s7, $0xb8;
	[tilespmem:$0x13400] =	vst v63  }
0x2d: {  	_ = 	snop  }
0x2e: {  	[tilespmem:s11], [sflag:$0x1] =	stream.indirect.gather [hbm4b:s3+s9], $0x40, s0, s9, $0xb8;
	[tilespmem:$0x13400] =	vst v63  }
0x2f: {  	p0 =	por $0x1, $0x1  }
0x30: {  	[tilespmem:s12], [sflag:$0x1] =	stream.indirect.gather [hbm4b:s3+s7], $0x40, s7, s7, $0xb8;
	[tilespmem:$0x13400] =	vst v63  }
0x31: {  	s24 =	simm.s32 $0x3460;
	p0 =	por p0, p0  }
0x32: {  	[tilespmem:s14], [sflag:$0x1] =	stream.indirect.gather [hbm4b:s3+s9], $0x40, s24, s9, $0xb8;
	[tilespmem:$0x13400] =	vst v63  }
0x33: {  	s24 =	simm.s32 @!p0 $0x4  }
0x34: {  	_ =	swait.ge @!p0 [sflag:s24], $0x1A00  }
0x35: {  	[sflag:s24] =	ssyncset.done @!p0 $0x0  }
0x36: {  	[sflag:s24] =	ssyncadd.s32 @!p0 $0xFFFFE600  }
0x37: {  	_ =	swait.ge @!p0 [sflag:s24], $0x1800  }
0x38: {  	[sflag:s24] =	ssyncset.done @!p0 $0x0  }
0x39: {  	[sflag:s24] =	ssyncadd.s32 @!p0 $0xFFFFE800  }
0x3a: {  	_ =	swait.ge @!p0 [sflag:s24], $0x1A00  }
0x3b: {  	[sflag:s24] =	ssyncset.done @!p0 $0x0  }
0x3c: {  	[sflag:s24] =	ssyncadd.s32 @!p0 $0xFFFFE600  }
0x3d: {  	_ =	swait.ge @!p0 [sflag:s24], $0x1800  }
0x3e: {  	[sflag:s24] =	ssyncset.done @!p0 $0x0  }
0x3f: {  	s25 =	simm.s32 $0xD0;
	[sflag:s24] =	ssyncadd.s32 @!p0 $0xFFFFE800  }
0x40: {  	[tilespmem:s15], [sflag:$0x2] =	stream.indirect.gather [hbm4b:s3+s7], $0x40, s25, s7, $0xb8;
	[tilespmem:$0x13400] =	vst v63  }
0x41: {  	s26 =	simm.s32 $0x34C0  }
0x42: {  	[tilespmem:s16], [sflag:$0x2] =	stream.indirect.gather [hbm4b:s3+s9], $0x40, s26, s9, $0xb8;
	[tilespmem:$0x13400] =	vst v63  }
0x43: {  	s29 =	simm.s32 $0x138  }
0x44: {  	[tilespmem:s17], [sflag:$0x2] =	stream.indirect.gather [hbm4b:s3+s7], $0x40, s29, s7, $0xb8;
	[tilespmem:$0x13400] =	vst v63  }
0x45: {  	s31 =	simm.s32 $0x3520  }
0x46: {  	[tilespmem:s18], [sflag:$0x2] =	stream.indirect.gather [hbm4b:s3+s9], $0x40, s31, s9, $0xb8;
	[tilespmem:$0x13400] =	vst v63  }
0x47: {  	_ =	swait.ge [sflag:s19], $0x1A00  }
0x48: {  	[sflag:s19] =	ssyncset.done $0x0  }
0x49: {  	[sflag:s19] =	ssyncadd.s32 $0xFFFFE600  }
0x4a: {  	_ =	swait.ge [sflag:s19], $0x1800  }
0x4b: {  	[sflag:s19] =	ssyncset.done $0x0  }
0x4c: {  	[sflag:s19] =	ssyncadd.s32 $0xFFFFE800  }
0x4d: {  	_ =	swait.ge [sflag:s19], $0x1A00  }
0x4e: {  	[sflag:s19] =	ssyncset.done $0x0  }
0x4f: {  	[sflag:s19] =	ssyncadd.s32 $0xFFFFE600  }
0x50: {  	_ =	swait.ge [sflag:s19], $0x1800  }
0x51: {  	s0 =	rddreg [dreg:$0x3];
	[sflag:s19] =	ssyncset.done $0x0  }
0x52: {  	s25 =	rddreg [dreg:$0x5];
	[sflag:s19] =	ssyncadd.s32 $0xFFFFE800;
	s24 =	sadd.s32 $0x0, s0  }
0x53: {  	[hbm4b:s24+s2] =	stream.linear.scatter [tilespmem:s8], [sflag:$0x3], $0x1A00, $0x38;
	[tilespmem:$0x13400] =	vst v63  }
0x54: {  	s25 =	sadd.s32 $0x0, s25  }
0x55: {  	[hbm4b:s25+s2] =	stream.linear.scatter [tilespmem:s11], [sflag:$0x3], $0x1800, $0x38;
	[tilespmem:$0x13400] =	vst v63  }
0x56: {  	s26 =	rddreg [dreg:$0x4];
	s1 =	sadd.s32 $0x640, s24  }
0x57: {  	[hbm4b:s1+s2] =	stream.linear.scatter [tilespmem:s12], [sflag:$0x3], $0x1A00, $0x38;
	[tilespmem:$0x13400] =	vst v63  }
0x58: {  	s10 =	sadd.s32 $0x0, s26  }
0x59: {  	[hbm4b:s10+s2] =	stream.linear.scatter [tilespmem:s14], [sflag:$0x3], $0x1800, $0x38;
	[tilespmem:$0x13400] =	vst v63  }
0x5a: {  	_ =	swait.ge [sflag:s20], $0x1A00  }
0x5b: {  	[sflag:s20] =	ssyncset.done $0x0  }
0x5c: {  	[sflag:s20] =	ssyncadd.s32 $0xFFFFE600  }
0x5d: {  	_ =	swait.ge [sflag:s20], $0x1800  }
0x5e: {  	[sflag:s20] =	ssyncset.done $0x0  }
0x5f: {  	[sflag:s20] =	ssyncadd.s32 $0xFFFFE800  }
0x60: {  	_ =	swait.ge [sflag:s20], $0x1A00  }
0x61: {  	[sflag:s20] =	ssyncset.done $0x0  }
0x62: {  	[sflag:s20] =	ssyncadd.s32 $0xFFFFE600  }
0x63: {  	p0 =	por $0x0, $0x0;
	_ =	swait.ge [sflag:s20], $0x1800  }
0x64: {  	s28 =	simm.s32 @!p0 $0x6400;
	[sflag:s20] =	ssyncset.done $0x0  }
0x65: {  	s26 =	simm.s32 @!p0 $0x68;
	s25 =	simm.s32 @!p0 $0x1A0;
	[sflag:s20] =	ssyncadd.s32 $0xFFFFE800  }
0x66: {  	[tilespmem:s28], [sflag:$0x1] =	stream.indirect.gather @!p0 [hbm4b:s3+s26], $0x40, s25, s26, $0xb8;
	[tilespmem:$0x13400] =	vst v63  }
0x67: {  	s29 =	simm.s32 @!p0 $0x60;
	s25 =	simm.s32 @!p0 $0x7E00;
	s28 =	simm.s32 @!p0 $0x3580  }
0x68: {  	[tilespmem:s25], [sflag:$0x1] =	stream.indirect.gather @!p0 [hbm4b:s3+s29], $0x40, s28, s29, $0xb8;
	[tilespmem:$0x13400] =	vst v63  }
0x69: {  	s25 =	simm.s32 $0x208;
	s28 =	simm.s32 @!p0 $0x9800  }
0x6a: {  	[tilespmem:s28], [sflag:$0x1] =	stream.indirect.gather @!p0 [hbm4b:s3+s26], $0x40, s25, s26, $0xb8;
	[tilespmem:$0x13400] =	vst v63  }
0x6b: {  	s25 =	simm.s32 @!p0 $0x35E0;
	s26 =	simm.s32 @!p0 $0xB200  }
0x6c: {  	[tilespmem:s26], [sflag:$0x1] =	stream.indirect.gather @!p0 [hbm4b:s3+s29], $0x40, s25, s29, $0xb8;
	[tilespmem:$0x13400] =	vst v63  }
0x6d: {  	_ =	swait.ge [sflag:s21], $0x1A00  }
0x6e: {  	[sflag:s21] =	ssyncset.done $0x0  }
0x6f: {  	[sflag:s21] =	ssyncadd.s32 $0xFFFFE600  }
0x70: {  	_ =	swait.ge [sflag:s21], $0x1800  }
0x71: {  	[sflag:s21] =	ssyncset.done $0x0  }
0x72: {  	[sflag:s21] =	ssyncadd.s32 $0xFFFFE800  }
0x73: {  	_ =	swait.ge [sflag:s21], $0x1A00  }
0x74: {  	[sflag:s21] =	ssyncset.done $0x0  }
0x75: {  	[sflag:s21] =	ssyncadd.s32 $0xFFFFE600  }
0x76: {  	_ =	swait.ge [sflag:s21], $0x1800  }
0x77: {  	p6 =	por $0x0, $0x0;
	[sflag:s21] =	ssyncset.done $0x0  }
0x78: {  	s29 =	sadd.s32 $0xC80, s24;
	s13 =	rddreg [dreg:$0x7];
	[sflag:s21] =	ssyncadd.s32 $0xFFFFE800  }
0x79: {  	[hbm4b:s29+s2] =	stream.linear.scatter [tilespmem:s15], [sflag:$0x4], $0x1A00, $0x38;
	[tilespmem:$0x13400] =	vst v63  }
0x7a: {  	s28 =	simm.s32 $0x3200;
	s24 =	sadd.s32 $0x12C0, s24;
	s25 =	sadd.s32 $0x0, s13  }
0x7b: {  	[hbm4b:s25+s2] =	stream.linear.scatter [tilespmem:s16], [sflag:$0x4], $0x1800, $0x38;
	[tilespmem:$0x13400] =	vst v63  }
0x7c: {  	p0 =	por p6, p6;
	s26 =	simm.s32 $0x36A0;
	s31 =	rddreg [dreg:$0x6]  }
0x7d: {  	[hbm4b:s24+s2] =	stream.linear.scatter [tilespmem:s17], [sflag:$0x4], $0x1A00, $0x38;
	[tilespmem:$0x13400] =	vst v63  }
0x7e: {  	s30 =	sadd.s32 $0x0, s31;
	s25 =	simm.s32 $0x3A8;
	s24 =	simm.s32 $0x1900  }
.LBB2_6:
0x7f: {  	s31 =	simm.s32 @!p0 $0x4  }
0x80: {  	[hbm4b:s30+s2] =	stream.linear.scatter [tilespmem:s18], [sflag:$0x4], $0x1800, $0x38;
	[tilespmem:$0x13400] =	vst v63  }
0x81: {  	_ =	swait.ge @!p0 [sflag:s31], $0x1A00  }
0x82: {  	[sflag:s31] =	ssyncset.done @!p0 $0x0  }
0x83: {  	[sflag:s31] =	ssyncadd.s32 @!p0 $0xFFFFE600  }
0x84: {  	_ =	swait.ge @!p0 [sflag:s31], $0x1800  }
0x85: {  	[sflag:s31] =	ssyncset.done @!p0 $0x0  }
0x86: {  	[sflag:s31] =	ssyncadd.s32 @!p0 $0xFFFFE800  }
0x87: {  	_ =	swait.ge @!p0 [sflag:s31], $0x1A00  }
0x88: {  	[sflag:s31] =	ssyncset.done @!p0 $0x0  }
0x89: {  	[sflag:s31] =	ssyncadd.s32 @!p0 $0xFFFFE600  }
0x8a: {  	_ =	swait.ge @!p0 [sflag:s31], $0x1800  }
0x8b: {  	[sflag:s31] =	ssyncset.done @!p0 $0x0  }
0x8c: {  	s30 =	sadd.s32 $0xFFFFFEC8, s25;
	[sflag:s31] =	ssyncadd.s32 @!p0 $0xFFFFE800  }
0x8d: {  	[tilespmem:s15], [sflag:$0x2] =	stream.indirect.gather [hbm4b:s3+s7], $0x40, s30, s7, $0xb8;
	[tilespmem:$0x13400] =	vst v63  }
0x8e: {  	s30 =	sadd.s32 $0xFFFFFFA0, s26  }
0x8f: {  	[tilespmem:s16], [sflag:$0x2] =	stream.indirect.gather [hbm4b:s3+s9], $0x40, s30, s9, $0xb8;
	[tilespmem:$0x13400] =	vst v63  }
0x90: {  	s30 =	sadd.s32 $0xFFFFFF30, s25  }
0x91: {  	[tilespmem:s17], [sflag:$0x2] =	stream.indirect.gather [hbm4b:s3+s7], $0x40, s30, s7, $0xb8;
	[tilespmem:$0x13400] =	vst v63  }
0x92: {  	_ = 	snop  }
0x93: {  	[tilespmem:s18], [sflag:$0x2] =	stream.indirect.gather [hbm4b:s3+s9], $0x40, s26, s9, $0xb8;
	[tilespmem:$0x13400] =	vst v63  }
0x94: {  	_ =	swait.ge [sflag:s19], $0x1A00  }
0x95: {  	[sflag:s19] =	ssyncset.done $0x0  }
0x96: {  	[sflag:s19] =	ssyncadd.s32 $0xFFFFE600  }
0x97: {  	_ =	swait.ge [sflag:s19], $0x1800  }
0x98: {  	[sflag:s19] =	ssyncset.done $0x0  }
0x99: {  	[sflag:s19] =	ssyncadd.s32 $0xFFFFE800  }
0x9a: {  	_ =	swait.ge [sflag:s19], $0x1A00  }
0x9b: {  	[sflag:s19] =	ssyncset.done $0x0  }
0x9c: {  	[sflag:s19] =	ssyncadd.s32 $0xFFFFE600  }
0x9d: {  	_ =	swait.ge [sflag:s19], $0x1800  }
0x9e: {  	s29 =	smov.u32 s24;
	s30 =	rddreg [dreg:$0x3];
	[sflag:s19] =	ssyncset.done $0x0  }
0x9f: {  	s1 =	rddreg [dreg:$0x5];
	[sflag:s19] =	ssyncadd.s32 $0xFFFFE800;
	s30 =	sadd.s32 s29, s30  }
0xa0: {  	[hbm4b:s30+s2] =	stream.linear.scatter [tilespmem:s8], [sflag:$0x3], $0x1A00, $0x38;
	[tilespmem:$0x13400] =	vst v63  }
0xa1: {  	s31 =	sadd.s32 s29, s1  }
0xa2: {  	[hbm4b:s31+s2] =	stream.linear.scatter [tilespmem:s11], [sflag:$0x3], $0x1800, $0x38;
	[tilespmem:$0x13400] =	vst v63  }
0xa3: {  	s0 =	rddreg [dreg:$0x4];
	s10 =	sadd.s32 $0x640, s30  }
0xa4: {  	[hbm4b:s10+s2] =	stream.linear.scatter [tilespmem:s12], [sflag:$0x3], $0x1A00, $0x38;
	[tilespmem:$0x13400] =	vst v63  }
0xa5: {  	s0 =	sadd.s32 s29, s0  }
0xa6: {  	[hbm4b:s0+s2] =	stream.linear.scatter [tilespmem:s14], [sflag:$0x3], $0x1800, $0x38;
	[tilespmem:$0x13400] =	vst v63  }
0xa7: {  	_ =	swait.ge [sflag:s20], $0x1A00  }
0xa8: {  	[sflag:s20] =	ssyncset.done $0x0  }
0xa9: {  	[sflag:s20] =	ssyncadd.s32 $0xFFFFE600  }
0xaa: {  	_ =	swait.ge [sflag:s20], $0x1800  }
0xab: {  	[sflag:s20] =	ssyncset.done $0x0  }
0xac: {  	[sflag:s20] =	ssyncadd.s32 $0xFFFFE800  }
0xad: {  	_ =	swait.ge [sflag:s20], $0x1A00  }
0xae: {  	[sflag:s20] =	ssyncset.done $0x0  }
0xaf: {  	p2 =	seq.s32 s28, $0x0;
	[sflag:s20] =	ssyncadd.s32 $0xFFFFE600  }
0xb0: {  	p0 =	por p2, p2;
	p2 =	seq.s32 s29, $0x30700;
	_ =	swait.ge [sflag:s20], $0x1800  }
0xb1: {  	s13 =	simm.s32 @!p2 $0x6400;
	[sflag:s20] =	ssyncset.done $0x0  }
0xb2: {  	s1 =	simm.s32 @!p2 $0x68;
	s0 =	sadd.s32 @!p2 $0xFFFFFF98, s25;
	[sflag:s20] =	ssyncadd.s32 $0xFFFFE800  }
0xb3: {  	[tilespmem:s13], [sflag:$0x1] =	stream.indirect.gather @!p2 [hbm4b:s3+s1], $0x40, s0, s1, $0xb8;
	[tilespmem:$0x13400] =	vst v63  }
0xb4: {  	s31 =	simm.s32 @!p2 $0x7E00;
	s10 =	sadd.s32 @!p2 $0x60, s26;
	s0 =	simm.s32 @!p2 $0x60  }
0xb5: {  	[tilespmem:s31], [sflag:$0x1] =	stream.indirect.gather @!p2 [hbm4b:s3+s0], $0x40, s10, s0, $0xb8;
	[tilespmem:$0x13400] =	vst v63  }
0xb6: {  	s13 =	simm.s32 @!p2 $0x9800  }
0xb7: {  	[tilespmem:s13], [sflag:$0x1] =	stream.indirect.gather @!p2 [hbm4b:s3+s1], $0x40, s25, s1, $0xb8;
	[tilespmem:$0x13400] =	vst v63  }
0xb8: {  	s10 =	sadd.s32 @!p2 $0xC0, s26;
	s31 =	simm.s32 @!p2 $0xB200  }
0xb9: {  	[tilespmem:s31], [sflag:$0x1] =	stream.indirect.gather @!p2 [hbm4b:s3+s0], $0x40, s10, s0, $0xb8;
	[tilespmem:$0x13400] =	vst v63  }
0xba: {  	_ =	swait.ge [sflag:s21], $0x1A00  }
0xbb: {  	[sflag:s21] =	ssyncset.done $0x0  }
0xbc: {  	[sflag:s21] =	ssyncadd.s32 $0xFFFFE600  }
0xbd: {  	_ =	swait.ge [sflag:s21], $0x1800  }
0xbe: {  	[sflag:s21] =	ssyncset.done $0x0  }
0xbf: {  	[sflag:s21] =	ssyncadd.s32 $0xFFFFE800  }
0xc0: {  	_ =	swait.ge [sflag:s21], $0x1A00  }
0xc1: {  	[sflag:s21] =	ssyncset.done $0x0  }
0xc2: {  	[sflag:s21] =	ssyncadd.s32 $0xFFFFE600  }
0xc3: {  	_ =	swait.ge [sflag:s21], $0x1800  }
0xc4: {  	s24 =	smov.u32 s28;
	s28 =	sadd.s32 $0x1900, s28;
	[sflag:s21] =	ssyncset.done $0x0  }
0xc5: {  	p1 =	sne.s32 s28, $0x32000;
	s13 =	sadd.s32 $0xC80, s30;
	[sflag:s21] =	ssyncadd.s32 $0xFFFFE800  }
0xc6: {  	[hbm4b:s13+s2] =	stream.linear.scatter [tilespmem:s15], [sflag:$0x4], $0x1A00, $0x38;
	[tilespmem:$0x13400] =	vst v63  }
.Ltmp2:
0xc7: {  	s31 =	rddreg [dreg:$0x7];
	(pc) =	sbr.rel @p1 .LBB2_6-.Ltmp2, $4  }
0xc8: {  	s26 =	sadd.s32 $0x180, s26;
	s10 =	rddreg [dreg:$0x6];
	s13 =	sadd.s32 s29, s31  }
0xc9: {  	[hbm4b:s13+s2] =	stream.linear.scatter [tilespmem:s16], [sflag:$0x4], $0x1800, $0x38;
	[tilespmem:$0x13400] =	vst v63  }
0xca: {  	s25 =	sadd.s32 $0x1A0, s25;
	s31 =	sadd.s32 $0x12C0, s30;
	s30 =	sadd.s32 s29, s10  }
0xcb: {  	[hbm4b:s31+s2] =	stream.linear.scatter [tilespmem:s17], [sflag:$0x4], $0x1A00, $0x38;
	[tilespmem:$0x13400] =	vst v63  }
0xcc: {  	s0 =	simm.s32 @!p0 $0x4  }
0xcd: {  	[hbm4b:s30+s2] =	stream.linear.scatter [tilespmem:s18], [sflag:$0x4], $0x1800, $0x38;
	[tilespmem:$0x13400] =	vst v63  }
0xce: {  	_ =	swait.ge @!p0 [sflag:s0], $0x1A00  }
0xcf: {  	[sflag:s0] =	ssyncset.done @!p0 $0x0  }
0xd0: {  	[sflag:s0] =	ssyncadd.s32 @!p0 $0xFFFFE600  }
0xd1: {  	_ =	swait.ge @!p0 [sflag:s0], $0x1800  }
0xd2: {  	[sflag:s0] =	ssyncset.done @!p0 $0x0  }
0xd3: {  	[sflag:s0] =	ssyncadd.s32 @!p0 $0xFFFFE800  }
0xd4: {  	_ =	swait.ge @!p0 [sflag:s0], $0x1A00  }
0xd5: {  	[sflag:s0] =	ssyncset.done @!p0 $0x0  }
0xd6: {  	[sflag:s0] =	ssyncadd.s32 @!p0 $0xFFFFE600  }
0xd7: {  	_ =	swait.ge @!p0 [sflag:s0], $0x1800  }
0xd8: {  	[sflag:s0] =	ssyncset.done @!p0 $0x0  }
0xd9: {  	s13 =	sadd.s32 $0xFFFFFEC8, s25;
	[sflag:s0] =	ssyncadd.s32 @!p0 $0xFFFFE800  }
0xda: {  	[tilespmem:s15], [sflag:$0x2] =	stream.indirect.gather [hbm4b:s3+s7], $0x40, s13, s7, $0xb8;
	[tilespmem:$0x13400] =	vst v63  }
0xdb: {  	s28 =	sadd.s32 $0xFFFFFFA0, s26  }
0xdc: {  	[tilespmem:s16], [sflag:$0x2] =	stream.indirect.gather [hbm4b:s3+s9], $0x40, s28, s9, $0xb8;
	[tilespmem:$0x13400] =	vst v63  }
0xdd: {  	s29 =	sadd.s32 $0xFFFFFF30, s25  }
0xde: {  	[tilespmem:s17], [sflag:$0x2] =	stream.indirect.gather [hbm4b:s3+s7], $0x40, s29, s7, $0xb8;
	[tilespmem:$0x13400] =	vst v63  }
0xdf: {  	_ = 	snop  }
0xe0: {  	[tilespmem:s18], [sflag:$0x2] =	stream.indirect.gather [hbm4b:s3+s9], $0x40, s26, s9, $0xb8;
	[tilespmem:$0x13400] =	vst v63  }
0xe1: {  	_ =	swait.ge [sflag:s19], $0x1A00  }
0xe2: {  	[sflag:s19] =	ssyncset.done $0x0  }
0xe3: {  	[sflag:s19] =	ssyncadd.s32 $0xFFFFE600  }
0xe4: {  	_ =	swait.ge [sflag:s19], $0x1800  }
0xe5: {  	[sflag:s19] =	ssyncset.done $0x0  }
0xe6: {  	[sflag:s19] =	ssyncadd.s32 $0xFFFFE800  }
0xe7: {  	_ =	swait.ge [sflag:s19], $0x1A00  }
0xe8: {  	[sflag:s19] =	ssyncset.done $0x0  }
0xe9: {  	[sflag:s19] =	ssyncadd.s32 $0xFFFFE600  }
0xea: {  	_ =	swait.ge [sflag:s19], $0x1800  }
0xeb: {  	s30 =	rddreg [dreg:$0x3];
	[sflag:s19] =	ssyncset.done $0x0  }
0xec: {  	s1 =	rddreg [dreg:$0x5];
	[sflag:s19] =	ssyncadd.s32 $0xFFFFE800;
	s0 =	sadd.s32 s24, s30  }
0xed: {  	[hbm4b:s0+s2] =	stream.linear.scatter [tilespmem:s8], [sflag:$0x3], $0x1A00, $0x38;
	[tilespmem:$0x13400] =	vst v63  }
0xee: {  	s1 =	sadd.s32 s24, s1  }
0xef: {  	[hbm4b:s1+s2] =	stream.linear.scatter [tilespmem:s11], [sflag:$0x3], $0x1800, $0x38;
	[tilespmem:$0x13400] =	vst v63  }
0xf0: {  	s10 =	rddreg [dreg:$0x4];
	s31 =	sadd.s32 $0x640, s0  }
0xf1: {  	[hbm4b:s31+s2] =	stream.linear.scatter [tilespmem:s12], [sflag:$0x3], $0x1A00, $0x38;
	[tilespmem:$0x13400] =	vst v63  }
0xf2: {  	s13 =	sadd.s32 s24, s10  }
0xf3: {  	[hbm4b:s13+s2] =	stream.linear.scatter [tilespmem:s14], [sflag:$0x3], $0x1800, $0x38;
	[tilespmem:$0x13400] =	vst v63  }
0xf4: {  	_ =	swait.ge [sflag:s20], $0x1A00  }
0xf5: {  	[sflag:s20] =	ssyncset.done $0x0  }
0xf6: {  	[sflag:s20] =	ssyncadd.s32 $0xFFFFE600  }
0xf7: {  	_ =	swait.ge [sflag:s20], $0x1800  }
0xf8: {  	[sflag:s20] =	ssyncset.done $0x0  }
0xf9: {  	[sflag:s20] =	ssyncadd.s32 $0xFFFFE800  }
0xfa: {  	_ =	swait.ge [sflag:s20], $0x1A00  }
0xfb: {  	[sflag:s20] =	ssyncset.done $0x0  }
0xfc: {  	[sflag:s20] =	ssyncadd.s32 $0xFFFFE600  }
0xfd: {  	p0 =	seq.s32 s24, $0x30700;
	_ =	swait.ge [sflag:s20], $0x1800  }
0xfe: {  	s10 =	simm.s32 @!p0 $0x68;
	[sflag:s20] =	ssyncset.done $0x0  }
0xff: {  	s1 =	sadd.s32 @!p0 $0xFFFFFF98, s25;
	s13 =	simm.s32 @!p0 $0x6400;
	[sflag:s20] =	ssyncadd.s32 $0xFFFFE800  }
0x100: {  	[tilespmem:s13], [sflag:$0x1] =	stream.indirect.gather @!p0 [hbm4b:s3+s10], $0x40, s1, s10, $0xb8;
	[tilespmem:$0x13400] =	vst v63  }
0x101: {  	s28 =	simm.s32 @!p0 $0x60;
	s1 =	simm.s32 @!p0 $0x7E00;
	s13 =	sadd.s32 @!p0 $0x60, s26  }
0x102: {  	[tilespmem:s1], [sflag:$0x1] =	stream.indirect.gather @!p0 [hbm4b:s3+s28], $0x40, s13, s28, $0xb8;
	[tilespmem:$0x13400] =	vst v63  }
0x103: {  	s1 =	simm.s32 @!p0 $0x9800  }
0x104: {  	[tilespmem:s1], [sflag:$0x1] =	stream.indirect.gather @!p0 [hbm4b:s3+s10], $0x40, s25, s10, $0xb8;
	[tilespmem:$0x13400] =	vst v63  }
0x105: {  	s1 =	sadd.s32 @!p0 $0xC0, s26;
	s10 =	simm.s32 @!p0 $0xB200  }
0x106: {  	[tilespmem:s10], [sflag:$0x1] =	stream.indirect.gather @!p0 [hbm4b:s3+s28], $0x40, s1, s28, $0xb8;
	[tilespmem:$0x13400] =	vst v63  }
0x107: {  	_ =	swait.ge [sflag:s21], $0x1A00  }
0x108: {  	[sflag:s21] =	ssyncset.done $0x0  }
0x109: {  	[sflag:s21] =	ssyncadd.s32 $0xFFFFE600  }
0x10a: {  	_ =	swait.ge [sflag:s21], $0x1800  }
0x10b: {  	[sflag:s21] =	ssyncset.done $0x0  }
0x10c: {  	[sflag:s21] =	ssyncadd.s32 $0xFFFFE800  }
0x10d: {  	_ =	swait.ge [sflag:s21], $0x1A00  }
0x10e: {  	[sflag:s21] =	ssyncset.done $0x0  }
0x10f: {  	[sflag:s21] =	ssyncadd.s32 $0xFFFFE600  }
0x110: {  	_ =	swait.ge [sflag:s21], $0x1800  }
0x111: {  	[sflag:s21] =	ssyncset.done $0x0  }
0x112: {  	s29 =	sadd.s32 $0xC80, s0;
	s28 =	rddreg [dreg:$0x7];
	[sflag:s21] =	ssyncadd.s32 $0xFFFFE800  }
0x113: {  	[hbm4b:s29+s2] =	stream.linear.scatter [tilespmem:s15], [sflag:$0x4], $0x1A00, $0x38;
	[tilespmem:$0x13400] =	vst v63  }
0x114: {  	s1 =	sadd.s32 s24, s28  }
0x115: {  	[hbm4b:s1+s2] =	stream.linear.scatter [tilespmem:s16], [sflag:$0x4], $0x1800, $0x38;
	[tilespmem:$0x13400] =	vst v63  }
0x116: {  	s0 =	sadd.s32 $0x12C0, s0;
	s30 =	rddreg [dreg:$0x6]  }
0x117: {  	[hbm4b:s0+s2] =	stream.linear.scatter [tilespmem:s17], [sflag:$0x4], $0x1A00, $0x38;
	[tilespmem:$0x13400] =	vst v63  }
0x118: {  	s31 =	sadd.s32 s24, s30  }
0x119: {  	[hbm4b:s31+s2] =	stream.linear.scatter [tilespmem:s18], [sflag:$0x4], $0x1800, $0x38;
	[tilespmem:$0x13400] =	vst v63  }
0x11a: {  	_ =	swait.ge [sflag:s22], $0x1A00  }
0x11b: {  	[sflag:s22] =	ssyncset.done $0x0  }
0x11c: {  	[sflag:s22] =	ssyncadd.s32 $0xFFFFE600  }
0x11d: {  	_ =	swait.ge [sflag:s22], $0x1800  }
0x11e: {  	[sflag:s22] =	ssyncset.done $0x0  }
0x11f: {  	s23 =	sadd.s32 $0x1, s23;
	[sflag:s22] =	ssyncadd.s32 $0xFFFFE800  }
0x120: {  	p0 =	sne.s32 s23, s4;
	_ =	swait.ge [sflag:s22], $0x1A00  }
.Ltmp3:
0x121: {  	[sflag:s22] =	ssyncset.done $0x0;
	(pc) =	sbr.rel @p0 .LBB2_1-.Ltmp3, $4  }
0x122: {  	[sflag:s22] =	ssyncadd.s32 $0xFFFFE600  }
0x123: {  	_ =	swait.ge [sflag:s22], $0x1800  }
0x124: {  	[sflag:s22] =	ssyncset.done $0x0  }
0x125: {  	s0 =	simm.s32 $0x3400;
	[sflag:s22] =	ssyncadd.s32 $0xFFFFE800  }
0x126: {  	_ =	sfence.sel $0x180000  }
0x127: {  	[bflag:$0x0] =	sbarrier.arrive $0xFFFF  }
0x128: {  	_ =	strace $0x90000047  }
0x129: {  	s0 =	stileid.u32;
	[bflag:$0x2] =	sbarrier.arrive $0xFFFF  }
0x12a: {  	p0 =	sne.s32 s0, $0x0;
	s0 =	rddreg [dreg:$0x2]  }
0x12b: {  	s0 =	sadd.s32 @!p0 $0x100000, s0  }
0x12c: {  	[sflag:s0] =	ssyncadd.tile.s32 @!p0 $0x1;
	_ =	shalt  }
.Lfunc_end2:
_tile_overlayer_lowered:
.L_overlay_start_2:
0x12d: {  	(tag) =	ssettag $0x2  }
0x12e: {  	s0 =	rddreg [dreg:$0x0];
	s2 =	stileid.u32  }
0x12f: {  	s1 =	rddreg [dreg:$0x1];
	p0 =	sne.s32 s2, $0x0  }
0x130: {  	s3 =	rddreg [dreg:$0x2];
	[bflag:$0x3] =	sbarrier.arrive $0xFFFF;
	s2 =	simm.s32 @!p0 $0x1C06  }
0x131: {  	[timem:s3], [sflag:s2] =	dma.local @!p0 [hbm:s0], s1  }
0x132: {  	s0 =	simm.s32 @!p0 $0x6  }
0x133: {  	_ =	swait.ge @!p0 [sflag:s0], s1  }
0x134: {  	s1 =	ssub.s32 @!p0 $0x0, s1;
	[sflag:s0] =	ssyncset.done @!p0 $0x0  }
0x135: {  	[sflag:s0] =	ssyncadd.s32 @!p0 s1  }
0x136: {  	[bflag:$0x3] =	sbarrier.arrive $0xFFFF  }
0x137: {  	_ =	shalt  }

// kernel: sparse-core-data-format-call.cloned.1.call-start
scs
called_computation_lowered:
.L_overlay_start_0:
0x0: {  	s2 =	sld [smem:$0x3FD9]  }
0x1: {  	s3 =	sld [smem:$0x3FFE];
	_ =	sdelay $0x1  }
0x2: {  	s1 =	srdreg.scid  }
0x3: {  	s0 =	sand.u32 $0x1, s1  }
0x4: {  	s18 =	sshll.u32 s0, $0xA;
	s2 =	sadd.s32 s3, s2  }
0x5: {  	s2 =	sadd.s32 s2, s18  }
0x6: {  	[smem:$0x3FC6] =	sst s2  }
0x7: {  	_ = 	snop  }
0x8: {  	s2 =	sld [smem:$0x3FD0];
	(tm) =	ssettm $0x1  }
0x9: {  	s19 =	sld [smem:$0x3FFB];
	_ =	sdelay $0x3  }
0xa: {  	_ =	strace s19  }
0xb: {  	s3 =	sld [smem:$0x3FFC];
	_ =	sdelay $0x3  }
0xc: {  	_ =	strace s3  }
0xd: {  	s3 =	sld [smem:$0x3FFD];
	_ =	sdelay $0x3  }
0xe: {  	_ =	strace s3  }
0xf: {  	_ =	strace $0x8FFFFFFF  }
0x10: {  	s20 =	sld [smem:$0x3FDB];
	_ =	sdelay $0x1  }
0x11: {  	s4 =	simm.s32 $_scs_section_size  }
0x12: {  	s5 =	simm.s32 $_size__tile_overlayer_lowered;
	s6 =	simm.s32 $_tile_overlayer_lowered  }
0x13: {  	s23 =	simm.s32 $0x1BFF;
	s22 =	sshll.u32 s6, $0x1;
	s3 =	sadd.s32 s4, s20  }
0x14: {  	s7 =	simm.s32 $0x0;
	s21 =	sshll.u32 s5, $0x1;
	s5 =	sadd.s32 s22, s3  }
0x15: {  	[timem:s7], [sflag:s23] =	dma.local [hbm:s5], s21  }
0x16: {  	_ =	swait.ge [sflag:s23], s21  }
0x17: {  	s4 =	ssub.s32 $0x0, s21;
	[sflag:s23] =	ssyncset.done $0x0  }
0x18: {  	[sflag:s23] =	ssyncadd.s32 s4;
	_ =	sdelay $0x1  }
0x19: {  	s24 =	simm.s32 $0x1B8B  }
0x1a: {  	_ =	swait.ge [sflag:s24], $0x1  }
0x1b: {  	[sflag:s24] =	ssyncset.done $0x0  }
0x1c: {  	s26 =	simm.s32 $0x1B8E;
	s25 =	sld [smem:$0x3FFE];
	[sflag:s24] =	ssyncadd.s32 $0xFFFFFFFF  }
0x1d: {  	s27 =	simm.s32 $execute0_lowered;
	[smem:$0x3FD2] =	sst s26  }
0x1e: {  	s5 =	sshll.u32 s27, $0x1;
	_ =	strace $0x80000049;
	[dreg:$0x1] =	wrdreg $0xFFFFFFFF  }
0x1f: {  	s28 =	simm.s32 $_size_execute0_lowered;
	s3 =	sadd.s32 s3, s5;
	[dreg:$0x0] =	wrdreg $0x0  }
0x20: {  	s5 =	sshll.u32 s28, $0x1;
	[dreg:$0x2] =	wrdreg s3  }
0x21: {  	[dreg:$0x3] =	wrdreg s5  }
0x22: {  	[dreg:$0x4] =	wrdreg $0xC0  }
0x23: {  	_ =	task [dreg:s7], $0x5FFFF  }
0x24: {  	[dreg:$0x1] =	wrdreg $0xFFFFFFFF  }
0x25: {  	[dreg:$0x0] =	wrdreg $0x60  }
0x26: {  	[dreg:$0x2] =	wrdreg s25  }
0x27: {  	[dreg:$0x3] =	wrdreg s2  }
0x28: {  	[dreg:$0x4] =	wrdreg $0x9  }
0x29: {  	_ =	task.clear_ibuf [dreg:s7], $0x5FFFF;
	_ =	strace $0x90000049  }
0x2a: {  	s29 =	simm.s32 $0x9;
	_ =	strace $0x8000004B  }
0x2b: {  	_ =	swait.ge [sflag:s29], $0x1  }
0x2c: {  	[sflag:s29] =	ssyncadd.s32 $0xFFFFFFFF  }
0x2d: {  	_ =	strace $0x9000004B  }
0x2e: {  	_ =	sfence  }
0x2f: {  	s30 =	sld [smem:$0x0];
	_ =	sdelay $0x2  }
0x30: {  	s31 =	sshll.u32 s1, $0xD;
	s1 =	sshrl.u32 s1, $0x2  }
0x31: {  	s3 =	sand.u32 $0x4000, s31;
	s1 =	sadd.s32 s1, s30  }
0x32: {  	s0 =	sor.u32 s3, s0;
	s1 =	sshll.u32 s1, $0x11  }
0x33: {  	s0 =	sor.u32 s1, s0  }
0x34: {  	s0 =	sadd.s32 $0x8F2B, s0  }
0x35: {  	[sflag:s0] =	ssyncadd.remote.s32 $0x1  }
0x36: {  	_ =	sfence.sel $0xFFFF  }
0x37: {  	[dreg:$0x0] =	wrdreg $0xFFFFFFFF;
	(pc) =	sbr.abs _section_cstart, $3  }
0x38: {  	[dreg:$0x1] =	wrdreg $0xFFFFFFFF  }
0x39: {  	_ =	task.clear_ibuf [dreg:s7], $0x2FFFF;
	_ =	strace $0x9FFFFFFF  }
0x3a: {  	(tm) =	ssettm $0x7FFFFFFF  }
0x3b: {  	_ =	shalt  }
tec
execute0_lowered:
.L_overlay_start_1:
0x0: {  	(tag) =	ssettag $0x1  }
0x1: {  	s0 =	srdreg.scid  }
0x2: {  	s1 =	sshll.u32 s0, $0x4  }
0x3: {  	s0 =	stileid.u32;
	s1 =	sand.u32 $0x10, s1  }
0x4: {  	s1 =	sor.u32 s0, s1  }
0x5: {  	s6 =	rddreg [dreg:$0x0];
	s4 =	simm.s32 $0x1;
	s2 =	sshll.u32 s1, $0x7  }
0x6: {  	s7 =	simm.s32 $0x2;
	s12 =	simm.s32 $0x0;
	s1 =	ssub.s32 $0x1000, s2  }
0x7: {  	s8 =	simm.s32 $0x8000;
	s13 =	simm.s32 $0x0;
	s3 =	sand.u32 $0xF80, s1  }
0x8: {  	s9 =	simm.s32 $0x0;
	s5 =	sshrl.u32 s1, $0xC;
	p0 =	sne.s32 s3, $0x0  }
.Ltmp0:
0x9: {  	s1 =	rddreg [dreg:$0x2];
	s4 =	simm.s32 @!p0 $0x0;
	(pc) =	sbr.rel .LBB1_1-.Ltmp0, $4  }
0xa: {  	s11 =	simm.s32 $0x0;
	s3 =	rddreg [dreg:$0x1];
	s5 =	sadd.s32 s4, s5  }
0xb: {  	_ =	strace $0x8000004A;
	s4 =	simm.s32 $0x1;
	s5 =	smul.u32 $0xC8, s5  }
0xc: {  	s6 =	sadd.s32 $0xA00, s6;
	s10 =	smov.u32 s2;
	[sflag:s4] =	ssyncpa.u1 $0x0  }
0xd: {  	p0 =	por $0x0, $0x0;
	[sflag:s7] =	ssyncpa.u1 $0x0;
	s7 =	sor.u32 $0x1, s5  }
.LBB1_4:
0xe: {  	s16 =	sshll.u32 s13, $0x3;
	s17 =	sand.u32 $0x78, s13  }
0xf: {  	s30 =	sand.u32 $0x7E00, s13;
	s12 =	sshll.u32 s12, $0xF;
	s16 =	sand.u32 $0xC00, s16  }
0x10: {  	[tilespmem:s15+$0x810 ss:$0x81] =	vst.msk $0xffff, v2;
	s31 =	sand.u32 $0x7, s13;
	s16 =	sor.u32 s17, s16;
	s17 =	sadd.s32 s3, s30  }
0x11: {  	[tilespmem:s15+$0x1020 ss:$0x81] =	vst.msk $0xffff, v0;
	s13 =	sshll.u32 s31, $0x12;
	s12 =	sadd.s32 s12, s17;
	s16 =	sshrl.u32 s16, $0x3  }
0x12: {  	[tilespmem:s15+$0x0 ss:$0x81] =	vst.msk $0xffff, v1;
	s13 =	sor.u32 $0x400, s13;
	s12 =	sadd.s32 s16, s12  }
0x13: {  	[hbm4b:s12+s13] =	stream.strided.scatter [tilespmem:s14], [sflag:$0x2], $0x2000, s8, s13, $0x20;
	[tilespmem:$0x8080] =	vst v63  }
.LBB1_5:
0x14: {  	s14 =	sadd.s32 $0x1, s9  }
0x15: {  	s12 =	sadd.s32 $0x1000, s10;
	s16 =	smov.u32 s10;
	p2 =	sgt.s32 s14, $0xC7  }
0x16: {  	s16 =	smov.u32 @p2 s12  }
0x17: {  	s14 =	simm.s32 @p2 $0x0;
	p2 =	sgt.s32 s16, $0xFFF  }
0x18: {  	s16 =	smov.u32 @p2 s2;
	p2 =	sne.s32 s11, s7  }
.Ltmp1:
0x19: {  	p1 =	slt.u32 s11, $0x2;
	(pc) =	sbr.rel @!p2 .LBB1_6-.Ltmp1, $4  }
0x1a: {  	s15 =	simm.s32 @!p1 $0x2  }
0x1b: {  	s13 =	smov.u32 s10;
	p0 =	por !p0, !p0;
	_ =	swait.ge @!p1 [sflag:s15], $0x2000  }
0x1c: {  	s12 =	smov.u32 s9;
	[sflag:s15] =	ssyncset.done @!p1 $0x0;
	s9 =	smov.u32 s14  }
0x1d: {  	s11 =	sadd.s32 $0x1, s11;
	[sflag:s15] =	ssyncadd.s32 @!p1 $0xFFFFE000;
	s10 =	smov.u32 s16  }
.LBB1_1:
0x1e: {  	p1 =	sge.u32 s11, s5  }
0x1f: {  	s14 =	sand.u32 @!p1 $0x1FFFFFF, s9  }
0x20: {  	s15 =	smulhi.u32 @!p1 $0x147AE15, s14;
	_ =	sdelay $0x1  }
0x21: {  	s15 =	smul.u32 @!p1 $0xC8, s15  }
0x22: {  	s16 =	sxor.u32 @!p1 $0xFFFFFFFF, s11;
	s17 =	smul.u32 @!p1 $0xC80, s10  }
0x23: {  	s31 =	sadd.s32 $0xFFFFFFFF, s11;
	s16 =	sshll.u32 @!p1 s16, $0xD;
	s14 =	ssub.s32 @!p1 s14, s15  }
0x24: {  	s15 =	sand.u32 @!p1 $0x2000, s16;
	s16 =	sadd.s32 @!p1 s6, s17;
	s14 =	sshll.u32 @!p1 s14, $0x4  }
0x25: {  	s17 =	simm.s32 @!p1 $0x6400;
	s14 =	sadd.s32 @!p1 s14, s16;
	s16 =	simm.s32 @!p1 $0x40  }
0x26: {  	[tilespmem:s15], [sflag:$0x1] =	stream.strided.gather @!p1 [hbm4b:s14+s16], $0x2000, s17, s16, $0x38;
	[tilespmem:$0x8080] =	vst v63  }
0x27: {  	p1 =	sge.u32 s31, s5  }
.Ltmp2:
0x28: {  	_ = 	snop;
	(pc) =	sbr.rel @p1 .LBB1_5-.Ltmp2, $1  }
0x29: {  	_ =	sdelay $0x3  }
0x2a: {  	s14 =	simm.s32 $0x1  }
0x2b: {  	_ =	swait.ge [sflag:s4], $0x2000;
	s14 =	simm.s32 @!p0 $0x0  }
0x2c: {  	[sflag:s4] =	ssyncset.done $0x0;
	s15 =	sshll.u32 s14, $0xD  }
0x2d: {  	[sflag:s4] =	ssyncadd.s32 $0xFFFFE000;
	s18 =	sor.u32 $0x20, s15  }
0x2e: {  	s14 =	smul.u32 $0x8100, s14;
	v3 =	vld [tilespmem:s18+$0x10]  }
0x2f: {  	s30 =	sand.u32 $0x1, s11;
	v2 =	vld [tilespmem:s18+$0xFFFFFFF0]  }
0x30: {  	s15 =	smul.u32 $0x8100, s30;
	s14 =	sshrl.u32 s14, $0x2;
	v0 =	vld [tilespmem:s18+$0x0]  }
0x31: {  	v1 =	vld [tilespmem:s18+$0xFFFFFFE0];
	s16 =	sor.u32 $0x4000, s14  }
0x32: {  	s31 =	sshrl.u32 s15, $0x2;
	s15 =	sadd.s32 $0x0, s16  }
0x33: {  	s17 =	simm.s32 $0x4;
	s18 =	sadd.s32 $0x40, s18;
	s14 =	sor.u32 $0x4000, s31;
	[tilespmem:s15+$0x1830 ss:$0x81] =	vst.msk $0xffff, v3  }
.LBB1_3:
0x34: {  	v3 =	vld [tilespmem:s18+$0x10];
	p1 =	sne.s32 s17, $0x1FC;
	[tilespmem:s15+$0x810 ss:$0x81] =	vst.msk $0xffff, v2;
	s19 =	smov.u32 s17;
	s17 =	sadd.s32 $0x4, s17  }
.Ltmp3:
0x35: {  	v2 =	vld [tilespmem:s18+$0xFFFFFFF0];
	[tilespmem:s15+$0x1020 ss:$0x81] =	vst.msk $0xffff, v0;
	(pc) =	sbr.rel @p1 .LBB1_3-.Ltmp3, $4  }
0x36: {  	v0 =	vld [tilespmem:s18+$0x0];
	[tilespmem:s15+$0x0 ss:$0x81] =	vst.msk $0xffff, v1  }
0x37: {  	s15 =	sshra.s32 s19, $0x2;
	v1 =	vld [tilespmem:s18+$0xFFFFFFE0]  }
0x38: {  	s15 =	sadd.s32 s15, s16  }
0x39: {  	s18 =	sadd.s32 $0x40, s18;
	[tilespmem:s15+$0x1830 ss:$0x81] =	vst.msk $0xffff, v3  }
.Ltmp4:
0x3a: {  	_ = 	snop;
	(pc) =	sbr.rel .LBB1_4-.Ltmp4, $1  }
0x3b: {  	_ =	sdelay $0x3  }
.LBB1_6:
0x3c: {  	_ =	sfence.sel $0x180000  }
0x3d: {  	s2 =	simm.s32 $0x1;
	[bflag:$0x0] =	sbarrier.arrive $0xFFFF  }
0x3e: {  	s31 =	simm.s32 $0x2;
	[sflag:s2] =	ssyncpa.u1 $0x1  }
0x3f: {  	[sflag:s31] =	ssyncpa.u1 $0x1  }
0x40: {  	p0 =	sne.s32 s0, $0x0;
	_ =	strace $0x9000004A  }
0x41: {  	s0 =	sadd.s32 @!p0 $0x100000, s1;
	[bflag:$0x2] =	sbarrier.arrive $0xFFFF  }
0x42: {  	[sflag:s0] =	ssyncadd.tile.s32 @!p0 $0x1;
	_ =	shalt  }
.Lfunc_end1:
_tile_overlayer_lowered:
.L_overlay_start_2:
0x43: {  	(tag) =	ssettag $0x2  }
0x44: {  	s0 =	rddreg [dreg:$0x0];
	s2 =	stileid.u32  }
0x45: {  	s1 =	rddreg [dreg:$0x1];
	p0 =	sne.s32 s2, $0x0  }
0x46: {  	s3 =	rddreg [dreg:$0x2];
	[bflag:$0x3] =	sbarrier.arrive $0xFFFF;
	s2 =	simm.s32 @!p0 $0x1C01  }
0x47: {  	[timem:s3], [sflag:s2] =	dma.local @!p0 [hbm:s0], s1  }
0x48: {  	s0 =	simm.s32 @!p0 $0x1  }
0x49: {  	_ =	swait.ge @!p0 [sflag:s0], s1  }
0x4a: {  	s1 =	ssub.s32 @!p0 $0x0, s1;
	[sflag:s0] =	ssyncset.done @!p0 $0x0  }
0x4b: {  	[sflag:s0] =	ssyncadd.s32 @!p0 s1  }
0x4c: {  	[bflag:$0x3] =	sbarrier.arrive $0xFFFF  }
0x4d: {  	_ =	shalt  }

</sc_bundles>
